<compile_context>
chip_gen: v7x
topology: tpu7x:2x2x1
jax: 0.10.2.dev20260603
libtpu: 0.0.44.dev20260713+nightly
codegen_flags: <defaults>
</compile_context>

<pallas_src>
import functools

import jax
import jax.numpy as jnp
from jax import lax
from jax.experimental import pallas as pl
from jax.experimental.pallas import tpu as pltpu
from jax.experimental.pallas import tpu_sc as plsc

_NUM_CLASSES = 19
_NWORKERS = 32


def _sc_segment_sums(masks, outputs, row_base):
  B, C, H, W = outputs.shape
  workers_per_batch = _NWORKERS // B
  rows_per_worker = (H - row_base) // workers_per_batch
  row_blocks = rows_per_worker // 8
  col_blocks = W // 128
  n_steps = row_blocks * col_blocks
  assert rows_per_worker % 8 == 0 and W % 128 == 0 and n_steps % 2 == 0

  mesh = plsc.VectorSubcoreMesh(core_axis_name="c", subcore_axis_name="s")
  acc_rows = 384
  acc_words = acc_rows * 16

  @functools.partial(
      pl.kernel,
      mesh=mesh,
      out_type=jax.ShapeDtypeStruct((_NWORKERS, acc_rows), jnp.float32),
      scratch_types=[
          pltpu.VMEM((2, 8, 128), jnp.int32),
          pltpu.VMEM((2, C, 8, 128), jnp.float32),
          pltpu.VMEM((acc_words,), jnp.float32),
          pltpu.VMEM((acc_rows,), jnp.float32),
          pltpu.SemaphoreType.DMA,
          pltpu.SemaphoreType.DMA,
          pltpu.SemaphoreType.DMA,
          pltpu.SemaphoreType.DMA,
      ],
      compiler_params=pltpu.CompilerParams(
          needs_layout_passes=False, use_tc_tiling_on_sc=True),
  )
  def sc_k(mask_hbm, out_hbm, part_hbm, mtile, otile, acc, acc2,
           sm0, sm1, so0, so1):
    wid = lax.axis_index("s") * 2 + lax.axis_index("c")
    b = wid // workers_per_batch
    q = wid % workers_per_batch
    sems = ((sm0, so0), (sm1, so1))

    zero16 = jnp.zeros((16,), jnp.float32)

    def zrow(i, carry):
      acc[pl.ds(pl.multiple_of(i * 16, 16), 16)] = zero16
      return carry

    lax.fori_loop(0, acc_words // 16, zrow, 0)

    lane = lax.iota(jnp.int32, 16)
    ones = jnp.ones((16,), jnp.float32)
    row_stride = (C + 1) * 16

    def step_slices(t):
      rb = t // col_blocks
      cb = t % col_blocks
      row0 = row_base + q * rows_per_worker + rb * 8
      col0 = cb * 128
      return row0, col0

    def issue(t, k):
      row0, col0 = step_slices(t)
      pltpu.async_copy(
          mask_hbm.at[b, pl.ds(row0, 8), pl.ds(col0, 128)], mtile.at[k],
          sems[k][0])
      pltpu.async_copy(
          out_hbm.at[b, :, pl.ds(row0, 8), pl.ds(col0, 128)], otile.at[k],
          sems[k][1])

    def drain(k):
      pltpu.make_async_copy(
          mask_hbm.at[0, pl.ds(0, 8), pl.ds(0, 128)], mtile.at[k],
          sems[k][0]).wait()
      pltpu.make_async_copy(
          out_hbm.at[0, :, pl.ds(0, 8), pl.ds(0, 128)], otile.at[k],
          sems[k][1]).wait()

    def compute(k):
      @plsc.parallel_loop(0, 64, step=1, unroll=2)
      def group(g):
        rr = g // 8
        cc = pl.multiple_of((g % 8) * 16, 16)
        m = mtile[k, rr, pl.ds(cc, 16)]
        base = m * row_stride + lane
        xs = [otile[k, c, rr, pl.ds(cc, 16)] for c in range(C)]
        plsc.addupdate_scatter(acc, [base + C * 16], ones)
        for c in range(C):
          plsc.addupdate_scatter(acc, [base + c * 16], xs[c])

    issue(0, 0)
    issue(1, 1)

    def step_pair(i, carry):
      t0 = 2 * i
      drain(0)
      compute(0)

      @pl.when(t0 + 2 < n_steps)
      def _():
        issue(t0 + 2, 0)

      drain(1)
      compute(1)

      @pl.when(t0 + 3 < n_steps)
      def _():
        issue(t0 + 3, 1)

      return carry

    lax.fori_loop(0, n_steps // 2, step_pair, 0)

    row16 = lane * 16

    def redblk(jb, carry):
      base = jb * 256
      s = jnp.zeros((16,), jnp.float32)
      for l in range(16):
        s = s + plsc.load_gather(acc, [row16 + (base + l)])
      acc2[pl.ds(pl.multiple_of(jb * 16, 16), 16)] = s
      return carry

    lax.fori_loop(0, acc_rows // 16, redblk, 0)
    pltpu.sync_copy(acc2, part_hbm.at[wid])

  return sc_k(masks, outputs)


_TC_ROWS = 64


def _tc_partial(masks, outputs, ht):
  B, C, H, W = outputs.shape
  blk = 8
  nrb = ht // blk

  def body(mask_ref, out_ref, acc_ref):
    rb = pl.program_id(1)

    @pl.when(rb == 0)
    def _():
      acc_ref[...] = jnp.zeros_like(acc_ref)

    msk = mask_ref[0]
    x = out_ref[0]
    iota_c = lax.broadcasted_iota(jnp.int32, (C, W), 0)
    ones2 = jnp.ones((1, W), jnp.float32)
    dn_nt = (((1,), (1,)), ((), ()))
    ps = jnp.zeros((C, C), jnp.float32)
    cnt = jnp.zeros((1, C), jnp.float32)
    for r in range(blk):
      ohr = (msk[r][None, :] == iota_c).astype(jnp.float32)
      xr = x[:, r, :]
      ps = ps + lax.dot_general(xr, ohr, dn_nt,
                                preferred_element_type=jnp.float32)
      cnt = cnt + lax.dot_general(ones2, ohr, dn_nt,
                                  preferred_element_type=jnp.float32)
    acc_ref[0, :C, :] += ps
    acc_ref[0, C:, :] += cnt

  return pl.pallas_call(
      body,
      grid=(B, nrb),
      in_specs=[
          pl.BlockSpec((1, blk, W), lambda b, rb: (b, rb, 0)),
          pl.BlockSpec((1, C, blk, W), lambda b, rb: (b, 0, rb, 0)),
      ],
      out_specs=pl.BlockSpec((1, C + 1, C), lambda b, rb: (b, 0, 0)),
      out_shape=jax.ShapeDtypeStruct((B, C + 1, C), jnp.float32),
  )(masks, outputs)


def _finalize_body(part_ref, tc_ref, out_ref):
  C = _NUM_CLASSES
  x = part_ref[...]
  B = x.shape[0] // 4
  x = x[:, :C * (C + 1)].reshape(B, 4, C, C + 1)
  r = jnp.sum(x, axis=1)
  xt = tc_ref[...]
  protosum = r[:, :, :C] + jnp.swapaxes(xt[:, :C, :], 1, 2)
  counts = r[:, :, C] + xt[:, C, :]
  safe = jnp.maximum(counts, 1.0)
  proto = protosum / safe[:, :, None]
  mx = jnp.max(proto, axis=-1, keepdims=True)
  sh = proto - mx
  lse = jnp.log(jnp.sum(jnp.exp(sh), axis=-1, keepdims=True))
  logp = sh - lse
  i = lax.broadcasted_iota(jnp.int32, (C, C), 0)
  j = lax.broadcasted_iota(jnp.int32, (C, C), 1)
  smooth = jnp.where(i == j, 0.9, 0.1 / 8.0)
  row_loss = jnp.sum(smooth[None, :, :] * logp, axis=-1)
  class_ids = lax.broadcasted_iota(jnp.int32, counts.shape, 1)
  present = counts > 0.0
  min_present = jnp.min(jnp.where(present, class_ids, C), axis=1,
                        keepdims=True)
  w = (present & (class_ids != min_present)).astype(jnp.float32)
  loss = -jnp.sum(w * row_loss) / jnp.sum(w)
  out_ref[...] = jnp.broadcast_to(loss, (1, 1))


def kernel(masks, outputs):
  B, C, H, W = outputs.shape
  masks = masks.astype(jnp.int32)
  partials = _sc_segment_sums(masks, outputs, _TC_ROWS)
  tc_part = _tc_partial(masks, outputs, _TC_ROWS)
  loss = pl.pallas_call(
      _finalize_body,
      out_shape=jax.ShapeDtypeStruct((1, 1), jnp.float32),
  )(partials, tc_part)
  return loss[0, 0]

# --- scband reference (transcript-rebuilt; emitter-appended) ---
"""Pipeline reference for scband-disparity-48808008352330 (READ-ONLY COPY).

The authoritative reference and input builder live on the scoring server;
editing this copy changes nothing except your own understanding.
"""

import jax, jax.numpy as jnp
import numpy as np

NUM_CLASSES = 19


def _smooth_labels(num_classes):
    eye = jnp.eye(num_classes, dtype=jnp.float32)
    return eye * 0.9 + jnp.ones((num_classes,), dtype=jnp.float32) * (0.1 / 8.0) * (1.0 - eye)


def setup_inputs(seed: int = 0):
    key = jax.random.key(seed)
    k1, k2 = jax.random.split(key)
    masks = jax.random.randint(k1, (8, 384, 384), 0, NUM_CLASSES)
    outputs = jax.random.normal(k2, (8, NUM_CLASSES, 384, 384), dtype=jnp.float32)
    return {"masks": masks, "outputs": outputs}


def reference(masks, outputs):
    num_classes = NUM_CLASSES
    smooth = _smooth_labels(num_classes)
    B, C, H, W = outputs.shape
    class_ids = jnp.arange(num_classes)
    prototypes = []
    label_rows = []
    weights = []
    for b in range(B):
        mask = masks[b]
        output = outputs[b]
        counts = []
        for p in range(num_classes):
            bin_mask = (mask == p).astype(outputs.dtype)
            denom = jnp.sum(bin_mask)  # same count broadcast over all C channels
            safe_denom = jnp.where(denom > 0, denom, jnp.ones_like(denom))
            proto = jnp.sum(bin_mask[None, :, :] * output, axis=(1, 2)) / safe_denom
            counts.append(denom)
            prototypes.append(proto)
            label_rows.append(smooth[p])
        counts = jnp.stack(counts)
        present = counts > 0
        min_present = jnp.min(jnp.where(present, class_ids, num_classes))
        w = (present & (class_ids != min_present)).astype(outputs.dtype)
        weights.append(w)
    prototypes = jnp.stack(prototypes, axis=0)
    labels = jnp.stack(label_rows, axis=0)
    weights = jnp.concatenate(weights, axis=0)
    # F.cross_entropy with soft targets: mean over rows of -sum(target * log_softmax(input))
    logp = jax.nn.log_softmax(prototypes, axis=-1)
    row_loss = jnp.sum(labels * logp, axis=-1)
    loss = -jnp.sum(weights * row_loss) / jnp.sum(weights)
    return loss

if __name__ == "__main__":
    import jax
    _d = setup_inputs()
    print(jax.jit(kernel)(*tuple(_d.values())))

</pallas_src>

<mosaic_0001>
#map = affine_map<(d0, d1) -> (0, 0, 0)>
#map1 = affine_map<(d0, d1) -> (0, 0, 0, 0)>
#map2 = affine_map<(d0, d1) -> (0, 0)>
module attributes {stable_mosaic.version = 14 : i64} {
  func.func @sc_k(%arg0: i32, %arg1: i32, %arg2: memref<8x384x384xi32, #tpu.memory_space<hbm>>, %arg3: memref<8x19x384x384xf32, #tpu.memory_space<hbm>>, %arg4: memref<32x384xf32, #tpu.memory_space<hbm>>, %arg5: memref<2x8x128xi32, #tpu.memory_space<vmem>>, %arg6: memref<2x19x8x128xf32, #tpu.memory_space<vmem>>, %arg7: memref<6144xf32, #tpu.memory_space<vmem>>, %arg8: memref<384xf32, #tpu.memory_space<vmem>>, %arg9: memref<!tpu.dma_semaphore, #tpu.memory_space<semaphore_mem>>, %arg10: memref<!tpu.dma_semaphore, #tpu.memory_space<semaphore_mem>>, %arg11: memref<!tpu.dma_semaphore, #tpu.memory_space<semaphore_mem>>, %arg12: memref<!tpu.dma_semaphore, #tpu.memory_space<semaphore_mem>>) attributes {dimension_semantics = [#tpu.dimension_semantics<core_parallel>, #tpu.dimension_semantics<subcore_parallel>], iteration_bounds = array<i64: 2, 16>, scalar_prefetch = 0 : i64, scratch_operands = 8 : i64, tpu.core_type = #tpu.core_type<sc_vector_subcore>, window_params = [{transform_indices = #map}, {transform_indices = #map1}, {transform_indices = #map2}]} {
    %mul3A = arith.constant 2 : i32
    %mul3A_0 = arith.muli %arg1, %mul3A : i32
    %add3A = arith.addi %mul3A_0, %arg0 : i32
    %jit3A = arith.constant 4 : i32
    %div3A = arith.divsi %add3A, %jit3A : i32
    %sign3A = arith.constant 0 : i32
    %sign3A_1 = arith.cmpi sgt, %add3A, %sign3A : i32
    %sign3A_2 = arith.extui %sign3A_1 : i1 to i32
    %sign3A_3 = arith.constant 0 : i32
    %sign3A_4 = arith.cmpi slt, %add3A, %sign3A_3 : i32
    %sign3A_5 = arith.extui %sign3A_4 : i1 to i32
    %sign3A_6 = arith.subi %sign3A_2, %sign3A_5 : i32
    %sign3A_7 = arith.constant 0 : i32
    %sign3A_8 = arith.cmpi sgt, %jit3A, %sign3A_7 : i32
    %sign3A_9 = arith.extui %sign3A_8 : i1 to i32
    %sign3A_10 = arith.constant 0 : i32
    %sign3A_11 = arith.cmpi slt, %jit3A, %sign3A_10 : i32
    %sign3A_12 = arith.extui %sign3A_11 : i1 to i32
    %sign3A_13 = arith.subi %sign3A_9, %sign3A_12 : i32
    %ne3A = arith.cmpi ne, %sign3A_6, %sign3A_13 : i32
    %rem3A = arith.remsi %add3A, %jit3A : i32
    %ne3A_14 = arith.constant 0 : i32
    %ne3A_15 = arith.cmpi ne, %rem3A, %ne3A_14 : i32
    %and3A = arith.andi %ne3A, %ne3A_15 : i1
    %sub3A = arith.constant 1 : i32
    %sub3A_16 = arith.subi %div3A, %sub3A : i32
    %select_n3A = arith.select %and3A, %sub3A_16, %div3A : i32
    %jit3A_17 = arith.constant 4 : i32
    %eq3A = arith.constant 0 : i32
    %eq3A_18 = arith.cmpi eq, %jit3A_17, %eq3A : i32
    %jit3A_19 = arith.constant 1 : i32
    %select_n3A_20 = arith.select %eq3A_18, %jit3A_19, %jit3A_17 : i32
    %rem3A_21 = arith.remsi %add3A, %select_n3A_20 : i32
    %ne3A_22 = arith.constant 0 : i32
    %ne3A_23 = arith.cmpi ne, %rem3A_21, %ne3A_22 : i32
    %lt3A = arith.constant 0 : i32
    %lt3A_24 = arith.cmpi slt, %rem3A_21, %lt3A : i32
    %lt3A_25 = arith.constant 0 : i32
    %lt3A_26 = arith.cmpi slt, %select_n3A_20, %lt3A_25 : i32
    %ne3A_27 = arith.xori %lt3A_24, %lt3A_26 : i1
    %and3A_28 = arith.andi %ne3A_27, %ne3A_23 : i1
    %add3A_29 = arith.addi %rem3A_21, %select_n3A_20 : i32
    %select_n3A_30 = arith.select %and3A_28, %add3A_29, %rem3A_21 : i32
    %broadcast_in_dim3A = arith.constant 0.000000e+00 : f32
    %broadcast_in_dim3A_31 = vector.broadcast %broadcast_in_dim3A : f32 to vector<16xf32>
    %scan3A = arith.constant 0 : i32
    %scan3A_32 = arith.constant 0 : i32
    %scan3A_33 = arith.constant 384 : i32
    %scan3A_34 = arith.addi %scan3A_32, %scan3A_33 : i32
    %scan3A_35 = arith.constant 1 : i32
    scf.for %scan3A_133 = %scan3A_32 to %scan3A_34 step %scan3A_35  : i32 {
      %mul3A_134 = arith.constant 16 : i32
      %mul3A_135 = arith.muli %scan3A_133, %mul3A_134 : i32
      %multiple_of3A = tpu.assume_multiple %mul3A_135, 16 : i32
      %swap3A = arith.index_cast %multiple_of3A : i32 to index
      %swap3A_136 = tpu.vector_load %arg7[%swap3A] {strides = array<i32>} : memref<6144xf32, #tpu.memory_space<vmem>>, vector<16xf32>,
      tpu.vector_store %arg7[%swap3A], %broadcast_in_dim3A_31 {strides = array<i32>} : memref<6144xf32, #tpu.memory_space<vmem>>, vector<16xf32>,
    }
    %scan3A_36 = arith.constant 384 : i32
    %iota3A = tpu.iota {dimensions = array<i32: 0>} : vector<16xi32>
    %broadcast_in_dim3A_37 = arith.constant 1.000000e+00 : f32
    %broadcast_in_dim3A_38 = vector.broadcast %broadcast_in_dim3A_37 : f32 to vector<16xf32>
    %mul3A_39 = arith.constant 80 : i32
    %mul3A_40 = arith.muli %select_n3A_30, %mul3A_39 : i32
    %add3A_41 = arith.constant 64 : i32
    %add3A_42 = arith.addi %add3A_41, %mul3A_40 : i32
    %add3A_43 = arith.constant 0 : i32
    %add3A_44 = arith.addi %add3A_42, %add3A_43 : i32
    %dma_start3A = arith.constant 0 : i32
    %dma_start3A_45 = arith.constant 0 : i32
    %dma_start3A_46 = arith.constant 0 : i32
    %dma_start3A_47 = tpu.memref_slice %arg5[%dma_start3A, %dma_start3A_45, %dma_start3A_46] : memref<2x8x128xi32, #tpu.memory_space<vmem>> -> memref<1x8x128xi32, #tpu.memory_space<vmem>>
    %dma_start3A_48 = tpu.memref_squeeze %dma_start3A_47 : memref<1x8x128xi32, #tpu.memory_space<vmem>> -> memref<8x128xi32, #tpu.memory_space<vmem>>
    %dma_start3A_49 = arith.constant 0 : i32
    %dma_start3A_50 = tpu.memref_slice %arg2[%select_n3A, %add3A_44, %dma_start3A_49] : memref<8x384x384xi32, #tpu.memory_space<hbm>> -> memref<1x8x128xi32, #tpu.memory_space<hbm>>
    %dma_start3A_51 = tpu.memref_squeeze %dma_start3A_50 : memref<1x8x128xi32, #tpu.memory_space<hbm>> -> memref<8x128xi32, #tpu.memory_space<hbm>>
    %dma_start3A_52 = arith.constant 0 : i32
    %dma_start3A_53 = arith.constant 0 : i32
    %dma_start3A_54 = tpu.memref_slice %arg5[%dma_start3A, %dma_start3A_52, %dma_start3A_53] : memref<2x8x128xi32, #tpu.memory_space<vmem>> -> memref<1x8x128xi32, #tpu.memory_space<vmem>>
    %dma_start3A_55 = tpu.memref_squeeze %dma_start3A_54 : memref<1x8x128xi32, #tpu.memory_space<vmem>> -> memref<8x128xi32, #tpu.memory_space<vmem>>
    %dma_start3A_56 = arith.constant 0 : i32
    %dma_start3A_57 = tpu.memref_slice %arg2[%select_n3A, %add3A_44, %dma_start3A_56] : memref<8x384x384xi32, #tpu.memory_space<hbm>> -> memref<1x8x128xi32, #tpu.memory_space<hbm>>
    %dma_start3A_58 = tpu.memref_squeeze %dma_start3A_57 : memref<1x8x128xi32, #tpu.memory_space<hbm>> -> memref<8x128xi32, #tpu.memory_space<hbm>>
    tpu.enqueue_dma source(%dma_start3A_58 : memref<8x128xi32, #tpu.memory_space<hbm>>) target(%dma_start3A_55 : memref<8x128xi32, #tpu.memory_space<vmem>>) target_semaphore(%arg9 : memref<!tpu.dma_semaphore, #tpu.memory_space<semaphore_mem>>)
    %dma_start3A_59 = arith.constant 0 : i32
    %dma_start3A_60 = arith.constant 0 : i32
    %dma_start3A_61 = arith.constant 0 : i32
    %dma_start3A_62 = arith.constant 0 : i32
    %dma_start3A_63 = tpu.memref_slice %arg6[%dma_start3A_59, %dma_start3A_60, %dma_start3A_61, %dma_start3A_62] : memref<2x19x8x128xf32, #tpu.memory_space<vmem>> -> memref<1x19x8x128xf32, #tpu.memory_space<vmem>>
    %dma_start3A_64 = tpu.memref_squeeze %dma_start3A_63 : memref<1x19x8x128xf32, #tpu.memory_space<vmem>> -> memref<19x8x128xf32, #tpu.memory_space<vmem>>
    %dma_start3A_65 = arith.constant 0 : i32
    %dma_start3A_66 = arith.constant 0 : i32
    %dma_start3A_67 = tpu.memref_slice %arg3[%select_n3A, %dma_start3A_65, %add3A_44, %dma_start3A_66] : memref<8x19x384x384xf32, #tpu.memory_space<hbm>> -> memref<1x19x8x128xf32, #tpu.memory_space<hbm>>
    %dma_start3A_68 = tpu.memref_squeeze %dma_start3A_67 : memref<1x19x8x128xf32, #tpu.memory_space<hbm>> -> memref<19x8x128xf32, #tpu.memory_space<hbm>>
    %dma_start3A_69 = arith.constant 0 : i32
    %dma_start3A_70 = arith.constant 0 : i32
    %dma_start3A_71 = arith.constant 0 : i32
    %dma_start3A_72 = tpu.memref_slice %arg6[%dma_start3A_59, %dma_start3A_69, %dma_start3A_70, %dma_start3A_71] : memref<2x19x8x128xf32, #tpu.memory_space<vmem>> -> memref<1x19x8x128xf32, #tpu.memory_space<vmem>>
    %dma_start3A_73 = tpu.memref_squeeze %dma_start3A_72 : memref<1x19x8x128xf32, #tpu.memory_space<vmem>> -> memref<19x8x128xf32, #tpu.memory_space<vmem>>
    %dma_start3A_74 = arith.constant 0 : i32
    %dma_start3A_75 = arith.constant 0 : i32
    %dma_start3A_76 = tpu.memref_slice %arg3[%select_n3A, %dma_start3A_74, %add3A_44, %dma_start3A_75] : memref<8x19x384x384xf32, #tpu.memory_space<hbm>> -> memref<1x19x8x128xf32, #tpu.memory_space<hbm>>
    %dma_start3A_77 = tpu.memref_squeeze %dma_start3A_76 : memref<1x19x8x128xf32, #tpu.memory_space<hbm>> -> memref<19x8x128xf32, #tpu.memory_space<hbm>>
    tpu.enqueue_dma source(%dma_start3A_77 : memref<19x8x128xf32, #tpu.memory_space<hbm>>) target(%dma_start3A_73 : memref<19x8x128xf32, #tpu.memory_space<vmem>>) target_semaphore(%arg11 : memref<!tpu.dma_semaphore, #tpu.memory_space<semaphore_mem>>)
    %mul3A_78 = arith.constant 80 : i32
    %mul3A_79 = arith.muli %select_n3A_30, %mul3A_78 : i32
    %add3A_80 = arith.constant 64 : i32
    %add3A_81 = arith.addi %add3A_80, %mul3A_79 : i32
    %add3A_82 = arith.constant 0 : i32
    %add3A_83 = arith.addi %add3A_81, %add3A_82 : i32
    %dma_start3A_84 = arith.constant 1 : i32
    %dma_start3A_85 = arith.constant 0 : i32
    %dma_start3A_86 = arith.constant 0 : i32
    %dma_start3A_87 = tpu.memref_slice %arg5[%dma_start3A_84, %dma_start3A_85, %dma_start3A_86] : memref<2x8x128xi32, #tpu.memory_space<vmem>> -> memref<1x8x128xi32, #tpu.memory_space<vmem>>
    %dma_start3A_88 = tpu.memref_squeeze %dma_start3A_87 : memref<1x8x128xi32, #tpu.memory_space<vmem>> -> memref<8x128xi32, #tpu.memory_space<vmem>>
    %dma_start3A_89 = arith.constant 128 : i32
    %dma_start3A_90 = tpu.memref_slice %arg2[%select_n3A, %add3A_83, %dma_start3A_89] : memref<8x384x384xi32, #tpu.memory_space<hbm>> -> memref<1x8x128xi32, #tpu.memory_space<hbm>>
    %dma_start3A_91 = tpu.memref_squeeze %dma_start3A_90 : memref<1x8x128xi32, #tpu.memory_space<hbm>> -> memref<8x128xi32, #tpu.memory_space<hbm>>
    %dma_start3A_92 = arith.constant 0 : i32
    %dma_start3A_93 = arith.constant 0 : i32
    %dma_start3A_94 = tpu.memref_slice %arg5[%dma_start3A_84, %dma_start3A_92, %dma_start3A_93] : memref<2x8x128xi32, #tpu.memory_space<vmem>> -> memref<1x8x128xi32, #tpu.memory_space<vmem>>
    %dma_start3A_95 = tpu.memref_squeeze %dma_start3A_94 : memref<1x8x128xi32, #tpu.memory_space<vmem>> -> memref<8x128xi32, #tpu.memory_space<vmem>>
    %dma_start3A_96 = arith.constant 128 : i32
    %dma_start3A_97 = tpu.memref_slice %arg2[%select_n3A, %add3A_83, %dma_start3A_96] : memref<8x384x384xi32, #tpu.memory_space<hbm>> -> memref<1x8x128xi32, #tpu.memory_space<hbm>>
    %dma_start3A_98 = tpu.memref_squeeze %dma_start3A_97 : memref<1x8x128xi32, #tpu.memory_space<hbm>> -> memref<8x128xi32, #tpu.memory_space<hbm>>
    tpu.enqueue_dma source(%dma_start3A_98 : memref<8x128xi32, #tpu.memory_space<hbm>>) target(%dma_start3A_95 : memref<8x128xi32, #tpu.memory_space<vmem>>) target_semaphore(%arg10 : memref<!tpu.dma_semaphore, #tpu.memory_space<semaphore_mem>>)
    %dma_start3A_99 = arith.constant 1 : i32
    %dma_start3A_100 = arith.constant 0 : i32
    %dma_start3A_101 = arith.constant 0 : i32
    %dma_start3A_102 = arith.constant 0 : i32
    %dma_start3A_103 = tpu.memref_slice %arg6[%dma_start3A_99, %dma_start3A_100, %dma_start3A_101, %dma_start3A_102] : memref<2x19x8x128xf32, #tpu.memory_space<vmem>> -> memref<1x19x8x128xf32, #tpu.memory_space<vmem>>
    %dma_start3A_104 = tpu.memref_squeeze %dma_start3A_103 : memref<1x19x8x128xf32, #tpu.memory_space<vmem>> -> memref<19x8x128xf32, #tpu.memory_space<vmem>>
    %dma_start3A_105 = arith.constant 0 : i32
    %dma_start3A_106 = arith.constant 128 : i32
    %dma_start3A_107 = tpu.memref_slice %arg3[%select_n3A, %dma_start3A_105, %add3A_83, %dma_start3A_106] : memref<8x19x384x384xf32, #tpu.memory_space<hbm>> -> memref<1x19x8x128xf32, #tpu.memory_space<hbm>>
    %dma_start3A_108 = tpu.memref_squeeze %dma_start3A_107 : memref<1x19x8x128xf32, #tpu.memory_space<hbm>> -> memref<19x8x128xf32, #tpu.memory_space<hbm>>
    %dma_start3A_109 = arith.constant 0 : i32
    %dma_start3A_110 = arith.constant 0 : i32
    %dma_start3A_111 = arith.constant 0 : i32
    %dma_start3A_112 = tpu.memref_slice %arg6[%dma_start3A_99, %dma_start3A_109, %dma_start3A_110, %dma_start3A_111] : memref<2x19x8x128xf32, #tpu.memory_space<vmem>> -> memref<1x19x8x128xf32, #tpu.memory_space<vmem>>
    %dma_start3A_113 = tpu.memref_squeeze %dma_start3A_112 : memref<1x19x8x128xf32, #tpu.memory_space<vmem>> -> memref<19x8x128xf32, #tpu.memory_space<vmem>>
    %dma_start3A_114 = arith.constant 0 : i32
    %dma_start3A_115 = arith.constant 128 : i32
    %dma_start3A_116 = tpu.memref_slice %arg3[%select_n3A, %dma_start3A_114, %add3A_83, %dma_start3A_115] : memref<8x19x384x384xf32, #tpu.memory_space<hbm>> -> memref<1x19x8x128xf32, #tpu.memory_space<hbm>>
    %dma_start3A_117 = tpu.memref_squeeze %dma_start3A_116 : memref<1x19x8x128xf32, #tpu.memory_space<hbm>> -> memref<19x8x128xf32, #tpu.memory_space<hbm>>
    tpu.enqueue_dma source(%dma_start3A_117 : memref<19x8x128xf32, #tpu.memory_space<hbm>>) target(%dma_start3A_113 : memref<19x8x128xf32, #tpu.memory_space<vmem>>) target_semaphore(%arg12 : memref<!tpu.dma_semaphore, #tpu.memory_space<semaphore_mem>>)
    %scan3A_118 = arith.constant 0 : i32
    %scan3A_119 = arith.constant 0 : i32
    %scan3A_120 = arith.constant 15 : i32
    %scan3A_121 = arith.addi %scan3A_119, %scan3A_120 : i32
    %scan3A_122 = arith.constant 1 : i32
    scf.for %scan3A_133 = %scan3A_119 to %scan3A_121 step %scan3A_122  : i32 {
      %mul3A_134 = arith.constant 2 : i32
      %mul3A_135 = arith.muli %mul3A_134, %scan3A_133 : i32
      %dma_wait3A = arith.constant 0 : i32
      %dma_wait3A_136 = arith.constant 0 : i32
      %dma_wait3A_137 = arith.constant 0 : i32
      %dma_wait3A_138 = arith.constant 0 : i32
      %dma_wait3A_139 = tpu.memref_slice %arg5[%dma_wait3A_136, %dma_wait3A_137, %dma_wait3A_138] : memref<2x8x128xi32, #tpu.memory_space<vmem>> -> memref<1x8x128xi32, #tpu.memory_space<vmem>>
      %dma_wait3A_140 = tpu.memref_squeeze %dma_wait3A_139 : memref<1x8x128xi32, #tpu.memory_space<vmem>> -> memref<8x128xi32, #tpu.memory_space<vmem>>
      %dma_wait3A_141 = arith.constant 0 : i32
      %dma_wait3A_142 = arith.constant 0 : i32
      %dma_wait3A_143 = tpu.memref_slice %arg2[%dma_wait3A, %dma_wait3A_141, %dma_wait3A_142] : memref<8x384x384xi32, #tpu.memory_space<hbm>> -> memref<1x8x128xi32, #tpu.memory_space<hbm>>
      %dma_wait3A_144 = tpu.memref_squeeze %dma_wait3A_143 : memref<1x8x128xi32, #tpu.memory_space<hbm>> -> memref<8x128xi32, #tpu.memory_space<hbm>>
      %dma_wait3A_145 = arith.constant 0 : i32
      %dma_wait3A_146 = arith.constant 0 : i32
      %dma_wait3A_147 = tpu.memref_slice %arg5[%dma_wait3A_136, %dma_wait3A_145, %dma_wait3A_146] : memref<2x8x128xi32, #tpu.memory_space<vmem>> -> memref<1x8x128xi32, #tpu.memory_space<vmem>>
      %dma_wait3A_148 = tpu.memref_squeeze %dma_wait3A_147 : memref<1x8x128xi32, #tpu.memory_space<vmem>> -> memref<8x128xi32, #tpu.memory_space<vmem>>
      %dma_wait3A_149 = arith.constant 0 : i32
      %dma_wait3A_150 = arith.constant 0 : i32
      %dma_wait3A_151 = tpu.memref_slice %arg2[%dma_wait3A, %dma_wait3A_149, %dma_wait3A_150] : memref<8x384x384xi32, #tpu.memory_space<hbm>> -> memref<1x8x128xi32, #tpu.memory_space<hbm>>
      %dma_wait3A_152 = tpu.memref_squeeze %dma_wait3A_151 : memref<1x8x128xi32, #tpu.memory_space<hbm>> -> memref<8x128xi32, #tpu.memory_space<hbm>>
      tpu.wait_dma2 semaphore(%arg9 : memref<!tpu.dma_semaphore, #tpu.memory_space<semaphore_mem>>) src(%dma_wait3A_152 : memref<8x128xi32, #tpu.memory_space<hbm>>) dst(%dma_wait3A_148 : memref<8x128xi32, #tpu.memory_space<vmem>>)
      %dma_wait3A_153 = arith.constant 0 : i32
      %dma_wait3A_154 = arith.constant 0 : i32
      %dma_wait3A_155 = arith.constant 0 : i32
      %dma_wait3A_156 = arith.constant 0 : i32
      %dma_wait3A_157 = arith.constant 0 : i32
      %dma_wait3A_158 = tpu.memref_slice %arg6[%dma_wait3A_154, %dma_wait3A_155, %dma_wait3A_156, %dma_wait3A_157] : memref<2x19x8x128xf32, #tpu.memory_space<vmem>> -> memref<1x19x8x128xf32, #tpu.memory_space<vmem>>
      %dma_wait3A_159 = tpu.memref_squeeze %dma_wait3A_158 : memref<1x19x8x128xf32, #tpu.memory_space<vmem>> -> memref<19x8x128xf32, #tpu.memory_space<vmem>>
      %dma_wait3A_160 = arith.constant 0 : i32
      %dma_wait3A_161 = arith.constant 0 : i32
      %dma_wait3A_162 = arith.constant 0 : i32
      %dma_wait3A_163 = tpu.memref_slice %arg3[%dma_wait3A_153, %dma_wait3A_160, %dma_wait3A_161, %dma_wait3A_162] : memref<8x19x384x384xf32, #tpu.memory_space<hbm>> -> memref<1x19x8x128xf32, #tpu.memory_space<hbm>>
      %dma_wait3A_164 = tpu.memref_squeeze %dma_wait3A_163 : memref<1x19x8x128xf32, #tpu.memory_space<hbm>> -> memref<19x8x128xf32, #tpu.memory_space<hbm>>
      %dma_wait3A_165 = arith.constant 0 : i32
      %dma_wait3A_166 = arith.constant 0 : i32
      %dma_wait3A_167 = arith.constant 0 : i32
      %dma_wait3A_168 = tpu.memref_slice %arg6[%dma_wait3A_154, %dma_wait3A_165, %dma_wait3A_166, %dma_wait3A_167] : memref<2x19x8x128xf32, #tpu.memory_space<vmem>> -> memref<1x19x8x128xf32, #tpu.memory_space<vmem>>
      %dma_wait3A_169 = tpu.memref_squeeze %dma_wait3A_168 : memref<1x19x8x128xf32, #tpu.memory_space<vmem>> -> memref<19x8x128xf32, #tpu.memory_space<vmem>>
      %dma_wait3A_170 = arith.constant 0 : i32
      %dma_wait3A_171 = arith.constant 0 : i32
      %dma_wait3A_172 = arith.constant 0 : i32
      %dma_wait3A_173 = tpu.memref_slice %arg3[%dma_wait3A_153, %dma_wait3A_170, %dma_wait3A_171, %dma_wait3A_172] : memref<8x19x384x384xf32, #tpu.memory_space<hbm>> -> memref<1x19x8x128xf32, #tpu.memory_space<hbm>>
      %dma_wait3A_174 = tpu.memref_squeeze %dma_wait3A_173 : memref<1x19x8x128xf32, #tpu.memory_space<hbm>> -> memref<19x8x128xf32, #tpu.memory_space<hbm>>
      tpu.wait_dma2 semaphore(%arg11 : memref<!tpu.dma_semaphore, #tpu.memory_space<semaphore_mem>>) src(%dma_wait3A_174 : memref<19x8x128xf32, #tpu.memory_space<hbm>>) dst(%dma_wait3A_169 : memref<19x8x128xf32, #tpu.memory_space<vmem>>)
      %parallel_loop3A = arith.constant 0 : i32
      %parallel_loop3A_175 = arith.constant 64 : i32
      %parallel_loop3A_176 = arith.constant 1 : i32
      scf.for %parallel_loop3A_232 = %parallel_loop3A to %parallel_loop3A_175 step %parallel_loop3A_176  : i32 {
        %parallel_loop3A_233 = arith.constant 8 : i32
        %parallel_loop3A_234 = arith.divsi %parallel_loop3A_232, %parallel_loop3A_233 : i32
        %parallel_loop3A_235 = arith.constant 0 : i32
        %parallel_loop3A_236 = arith.cmpi sgt, %parallel_loop3A_232, %parallel_loop3A_235 : i32
        %parallel_loop3A_237 = arith.extui %parallel_loop3A_236 : i1 to i32
        %parallel_loop3A_238 = arith.constant 0 : i32
        %parallel_loop3A_239 = arith.cmpi slt, %parallel_loop3A_232, %parallel_loop3A_238 : i32
        %parallel_loop3A_240 = arith.extui %parallel_loop3A_239 : i1 to i32
        %parallel_loop3A_241 = arith.subi %parallel_loop3A_237, %parallel_loop3A_240 : i32
        %parallel_loop3A_242 = arith.constant 0 : i32
        %parallel_loop3A_243 = arith.cmpi sgt, %parallel_loop3A_233, %parallel_loop3A_242 : i32
        %parallel_loop3A_244 = arith.extui %parallel_loop3A_243 : i1 to i32
        %parallel_loop3A_245 = arith.constant 0 : i32
        %parallel_loop3A_246 = arith.cmpi slt, %parallel_loop3A_233, %parallel_loop3A_245 : i32
        %parallel_loop3A_247 = arith.extui %parallel_loop3A_246 : i1 to i32
        %parallel_loop3A_248 = arith.subi %parallel_loop3A_244, %parallel_loop3A_247 : i32
        %parallel_loop3A_249 = arith.cmpi ne, %parallel_loop3A_241, %parallel_loop3A_248 : i32
        %parallel_loop3A_250 = arith.remsi %parallel_loop3A_232, %parallel_loop3A_233 : i32
        %parallel_loop3A_251 = arith.constant 0 : i32
        %parallel_loop3A_252 = arith.cmpi ne, %parallel_loop3A_250, %parallel_loop3A_251 : i32
        %parallel_loop3A_253 = arith.andi %parallel_loop3A_249, %parallel_loop3A_252 : i1
        %parallel_loop3A_254 = arith.constant 1 : i32
        %parallel_loop3A_255 = arith.subi %parallel_loop3A_234, %parallel_loop3A_254 : i32
        %parallel_loop3A_256 = arith.select %parallel_loop3A_253, %parallel_loop3A_255, %parallel_loop3A_234 : i32
        %parallel_loop3A_257 = arith.constant 8 : i32
        %parallel_loop3A_258 = arith.constant 0 : i32
        %parallel_loop3A_259 = arith.cmpi eq, %parallel_loop3A_257, %parallel_loop3A_258 : i32
        %parallel_loop3A_260 = arith.constant 1 : i32
        %parallel_loop3A_261 = arith.select %parallel_loop3A_259, %parallel_loop3A_260, %parallel_loop3A_257 : i32
        %parallel_loop3A_262 = arith.remsi %parallel_loop3A_232, %parallel_loop3A_261 : i32
        %parallel_loop3A_263 = arith.constant 0 : i32
        %parallel_loop3A_264 = arith.cmpi ne, %parallel_loop3A_262, %parallel_loop3A_263 : i32
        %parallel_loop3A_265 = arith.constant 0 : i32
        %parallel_loop3A_266 = arith.cmpi slt, %parallel_loop3A_262, %parallel_loop3A_265 : i32
        %parallel_loop3A_267 = arith.constant 0 : i32
        %parallel_loop3A_268 = arith.cmpi slt, %parallel_loop3A_261, %parallel_loop3A_267 : i32
        %parallel_loop3A_269 = arith.xori %parallel_loop3A_266, %parallel_loop3A_268 : i1
        %parallel_loop3A_270 = arith.andi %parallel_loop3A_269, %parallel_loop3A_264 : i1
        %parallel_loop3A_271 = arith.addi %parallel_loop3A_262, %parallel_loop3A_261 : i32
        %parallel_loop3A_272 = arith.select %parallel_loop3A_270, %parallel_loop3A_271, %parallel_loop3A_262 : i32
        %parallel_loop3A_273 = arith.constant 16 : i32
        %parallel_loop3A_274 = arith.muli %parallel_loop3A_272, %parallel_loop3A_273 : i32
        %parallel_loop3A_275 = tpu.assume_multiple %parallel_loop3A_274, 16 : i32
        %parallel_loop3A_276 = arith.constant 0 : i32
        %parallel_loop3A_277 = arith.index_cast %parallel_loop3A_276 : i32 to index
        %parallel_loop3A_278 = arith.index_cast %parallel_loop3A_256 : i32 to index
        %parallel_loop3A_279 = arith.index_cast %parallel_loop3A_275 : i32 to index
        %parallel_loop3A_280 = tpu.vector_load %arg5[%parallel_loop3A_277, %parallel_loop3A_278, %parallel_loop3A_279] {strides = array<i32>} : memref<2x8x128xi32, #tpu.memory_space<vmem>>, vector<16xi32>,
        %parallel_loop3A_281 = arith.constant 320 : i32
        %parallel_loop3A_282 = vector.broadcast %parallel_loop3A_281 : i32 to vector<16xi32>
        %parallel_loop3A_283 = arith.muli %parallel_loop3A_280, %parallel_loop3A_282 : vector<16xi32>
        %parallel_loop3A_284 = arith.addi %parallel_loop3A_283, %iota3A : vector<16xi32>
        %parallel_loop3A_285 = arith.constant 0 : i32
        %parallel_loop3A_286 = arith.constant 0 : i32
        %parallel_loop3A_287 = arith.index_cast %parallel_loop3A_285 : i32 to index
        %parallel_loop3A_288 = arith.index_cast %parallel_loop3A_286 : i32 to index
        %parallel_loop3A_289 = arith.index_cast %parallel_loop3A_256 : i32 to index
        %parallel_loop3A_290 = arith.index_cast %parallel_loop3A_275 : i32 to index
        %parallel_loop3A_291 = tpu.vector_load %arg6[%parallel_loop3A_287, %parallel_loop3A_288, %parallel_loop3A_289, %parallel_loop3A_290] {strides = array<i32>} : memref<2x19x8x128xf32, #tpu.memory_space<vmem>>, vector<16xf32>,
        %parallel_loop3A_292 = arith.constant 0 : i32
        %parallel_loop3A_293 = arith.constant 1 : i32
        %parallel_loop3A_294 = arith.index_cast %parallel_loop3A_292 : i32 to index
        %parallel_loop3A_295 = arith.index_cast %parallel_loop3A_293 : i32 to index
        %parallel_loop3A_296 = arith.index_cast %parallel_loop3A_256 : i32 to index
        %parallel_loop3A_297 = arith.index_cast %parallel_loop3A_275 : i32 to index
        %parallel_loop3A_298 = tpu.vector_load %arg6[%parallel_loop3A_294, %parallel_loop3A_295, %parallel_loop3A_296, %parallel_loop3A_297] {strides = array<i32>} : memref<2x19x8x128xf32, #tpu.memory_space<vmem>>, vector<16xf32>,
        %parallel_loop3A_299 = arith.constant 0 : i32
        %parallel_loop3A_300 = arith.constant 2 : i32
        %parallel_loop3A_301 = arith.index_cast %parallel_loop3A_299 : i32 to index
        %parallel_loop3A_302 = arith.index_cast %parallel_loop3A_300 : i32 to index
        %parallel_loop3A_303 = arith.index_cast %parallel_loop3A_256 : i32 to index
        %parallel_loop3A_304 = arith.index_cast %parallel_loop3A_275 : i32 to index
        %parallel_loop3A_305 = tpu.vector_load %arg6[%parallel_loop3A_301, %parallel_loop3A_302, %parallel_loop3A_303, %parallel_loop3A_304] {strides = array<i32>} : memref<2x19x8x128xf32, #tpu.memory_space<vmem>>, vector<16xf32>,
        %parallel_loop3A_306 = arith.constant 0 : i32
        %parallel_loop3A_307 = arith.constant 3 : i32
        %parallel_loop3A_308 = arith.index_cast %parallel_loop3A_306 : i32 to index
        %parallel_loop3A_309 = arith.index_cast %parallel_loop3A_307 : i32 to index
        %parallel_loop3A_310 = arith.index_cast %parallel_loop3A_256 : i32 to index
        %parallel_loop3A_311 = arith.index_cast %parallel_loop3A_275 : i32 to index
        %parallel_loop3A_312 = tpu.vector_load %arg6[%parallel_loop3A_308, %parallel_loop3A_309, %parallel_loop3A_310, %parallel_loop3A_311] {strides = array<i32>} : memref<2x19x8x128xf32, #tpu.memory_space<vmem>>, vector<16xf32>,
        %parallel_loop3A_313 = arith.constant 0 : i32
        %parallel_loop3A_314 = arith.constant 4 : i32
        %parallel_loop3A_315 = arith.index_cast %parallel_loop3A_313 : i32 to index
        %parallel_loop3A_316 = arith.index_cast %parallel_loop3A_314 : i32 to index
        %parallel_loop3A_317 = arith.index_cast %parallel_loop3A_256 : i32 to index
        %parallel_loop3A_318 = arith.index_cast %parallel_loop3A_275 : i32 to index
        %parallel_loop3A_319 = tpu.vector_load %arg6[%parallel_loop3A_315, %parallel_loop3A_316, %parallel_loop3A_317, %parallel_loop3A_318] {strides = array<i32>} : memref<2x19x8x128xf32, #tpu.memory_space<vmem>>, vector<16xf32>,
        %parallel_loop3A_320 = arith.constant 0 : i32
        %parallel_loop3A_321 = arith.constant 5 : i32
        %parallel_loop3A_322 = arith.index_cast %parallel_loop3A_320 : i32 to index
        %parallel_loop3A_323 = arith.index_cast %parallel_loop3A_321 : i32 to index
        %parallel_loop3A_324 = arith.index_cast %parallel_loop3A_256 : i32 to index
        %parallel_loop3A_325 = arith.index_cast %parallel_loop3A_275 : i32 to index
        %parallel_loop3A_326 = tpu.vector_load %arg6[%parallel_loop3A_322, %parallel_loop3A_323, %parallel_loop3A_324, %parallel_loop3A_325] {strides = array<i32>} : memref<2x19x8x128xf32, #tpu.memory_space<vmem>>, vector<16xf32>,
        %parallel_loop3A_327 = arith.constant 0 : i32
        %parallel_loop3A_328 = arith.constant 6 : i32
        %parallel_loop3A_329 = arith.index_cast %parallel_loop3A_327 : i32 to index
        %parallel_loop3A_330 = arith.index_cast %parallel_loop3A_328 : i32 to index
        %parallel_loop3A_331 = arith.index_cast %parallel_loop3A_256 : i32 to index
        %parallel_loop3A_332 = arith.index_cast %parallel_loop3A_275 : i32 to index
        %parallel_loop3A_333 = tpu.vector_load %arg6[%parallel_loop3A_329, %parallel_loop3A_330, %parallel_loop3A_331, %parallel_loop3A_332] {strides = array<i32>} : memref<2x19x8x128xf32, #tpu.memory_space<vmem>>, vector<16xf32>,
        %parallel_loop3A_334 = arith.constant 0 : i32
        %parallel_loop3A_335 = arith.constant 7 : i32
        %parallel_loop3A_336 = arith.index_cast %parallel_loop3A_334 : i32 to index
        %parallel_loop3A_337 = arith.index_cast %parallel_loop3A_335 : i32 to index
        %parallel_loop3A_338 = arith.index_cast %parallel_loop3A_256 : i32 to index
        %parallel_loop3A_339 = arith.index_cast %parallel_loop3A_275 : i32 to index
        %parallel_loop3A_340 = tpu.vector_load %arg6[%parallel_loop3A_336, %parallel_loop3A_337, %parallel_loop3A_338, %parallel_loop3A_339] {strides = array<i32>} : memref<2x19x8x128xf32, #tpu.memory_space<vmem>>, vector<16xf32>,
        %parallel_loop3A_341 = arith.constant 0 : i32
        %parallel_loop3A_342 = arith.constant 8 : i32
        %parallel_loop3A_343 = arith.index_cast %parallel_loop3A_341 : i32 to index
        %parallel_loop3A_344 = arith.index_cast %parallel_loop3A_342 : i32 to index
        %parallel_loop3A_345 = arith.index_cast %parallel_loop3A_256 : i32 to index
        %parallel_loop3A_346 = arith.index_cast %parallel_loop3A_275 : i32 to index
        %parallel_loop3A_347 = tpu.vector_load %arg6[%parallel_loop3A_343, %parallel_loop3A_344, %parallel_loop3A_345, %parallel_loop3A_346] {strides = array<i32>} : memref<2x19x8x128xf32, #tpu.memory_space<vmem>>, vector<16xf32>,
        %parallel_loop3A_348 = arith.constant 0 : i32
        %parallel_loop3A_349 = arith.constant 9 : i32
        %parallel_loop3A_350 = arith.index_cast %parallel_loop3A_348 : i32 to index
        %parallel_loop3A_351 = arith.index_cast %parallel_loop3A_349 : i32 to index
        %parallel_loop3A_352 = arith.index_cast %parallel_loop3A_256 : i32 to index
        %parallel_loop3A_353 = arith.index_cast %parallel_loop3A_275 : i32 to index
        %parallel_loop3A_354 = tpu.vector_load %arg6[%parallel_loop3A_350, %parallel_loop3A_351, %parallel_loop3A_352, %parallel_loop3A_353] {strides = array<i32>} : memref<2x19x8x128xf32, #tpu.memory_space<vmem>>, vector<16xf32>,
        %parallel_loop3A_355 = arith.constant 0 : i32
        %parallel_loop3A_356 = arith.constant 10 : i32
        %parallel_loop3A_357 = arith.index_cast %parallel_loop3A_355 : i32 to index
        %parallel_loop3A_358 = arith.index_cast %parallel_loop3A_356 : i32 to index
        %parallel_loop3A_359 = arith.index_cast %parallel_loop3A_256 : i32 to index
        %parallel_loop3A_360 = arith.index_cast %parallel_loop3A_275 : i32 to index
        %parallel_loop3A_361 = tpu.vector_load %arg6[%parallel_loop3A_357, %parallel_loop3A_358, %parallel_loop3A_359, %parallel_loop3A_360] {strides = array<i32>} : memref<2x19x8x128xf32, #tpu.memory_space<vmem>>, vector<16xf32>,
        %parallel_loop3A_362 = arith.constant 0 : i32
        %parallel_loop3A_363 = arith.constant 11 : i32
        %parallel_loop3A_364 = arith.index_cast %parallel_loop3A_362 : i32 to index
        %parallel_loop3A_365 = arith.index_cast %parallel_loop3A_363 : i32 to index
        %parallel_loop3A_366 = arith.index_cast %parallel_loop3A_256 : i32 to index
        %parallel_loop3A_367 = arith.index_cast %parallel_loop3A_275 : i32 to index
        %parallel_loop3A_368 = tpu.vector_load %arg6[%parallel_loop3A_364, %parallel_loop3A_365, %parallel_loop3A_366, %parallel_loop3A_367] {strides = array<i32>} : memref<2x19x8x128xf32, #tpu.memory_space<vmem>>, vector<16xf32>,
        %parallel_loop3A_369 = arith.constant 0 : i32
        %parallel_loop3A_370 = arith.constant 12 : i32
        %parallel_loop3A_371 = arith.index_cast %parallel_loop3A_369 : i32 to index
        %parallel_loop3A_372 = arith.index_cast %parallel_loop3A_370 : i32 to index
        %parallel_loop3A_373 = arith.index_cast %parallel_loop3A_256 : i32 to index
        %parallel_loop3A_374 = arith.index_cast %parallel_loop3A_275 : i32 to index
        %parallel_loop3A_375 = tpu.vector_load %arg6[%parallel_loop3A_371, %parallel_loop3A_372, %parallel_loop3A_373, %parallel_loop3A_374] {strides = array<i32>} : memref<2x19x8x128xf32, #tpu.memory_space<vmem>>, vector<16xf32>,
        %parallel_loop3A_376 = arith.constant 0 : i32
        %parallel_loop3A_377 = arith.constant 13 : i32
        %parallel_loop3A_378 = arith.index_cast %parallel_loop3A_376 : i32 to index
        %parallel_loop3A_379 = arith.index_cast %parallel_loop3A_377 : i32 to index
        %parallel_loop3A_380 = arith.index_cast %parallel_loop3A_256 : i32 to index
        %parallel_loop3A_381 = arith.index_cast %parallel_loop3A_275 : i32 to index
        %parallel_loop3A_382 = tpu.vector_load %arg6[%parallel_loop3A_378, %parallel_loop3A_379, %parallel_loop3A_380, %parallel_loop3A_381] {strides = array<i32>} : memref<2x19x8x128xf32, #tpu.memory_space<vmem>>, vector<16xf32>,
        %parallel_loop3A_383 = arith.constant 0 : i32
        %parallel_loop3A_384 = arith.constant 14 : i32
        %parallel_loop3A_385 = arith.index_cast %parallel_loop3A_383 : i32 to index
        %parallel_loop3A_386 = arith.index_cast %parallel_loop3A_384 : i32 to index
        %parallel_loop3A_387 = arith.index_cast %parallel_loop3A_256 : i32 to index
        %parallel_loop3A_388 = arith.index_cast %parallel_loop3A_275 : i32 to index
        %parallel_loop3A_389 = tpu.vector_load %arg6[%parallel_loop3A_385, %parallel_loop3A_386, %parallel_loop3A_387, %parallel_loop3A_388] {strides = array<i32>} : memref<2x19x8x128xf32, #tpu.memory_space<vmem>>, vector<16xf32>,
        %parallel_loop3A_390 = arith.constant 0 : i32
        %parallel_loop3A_391 = arith.constant 15 : i32
        %parallel_loop3A_392 = arith.index_cast %parallel_loop3A_390 : i32 to index
        %parallel_loop3A_393 = arith.index_cast %parallel_loop3A_391 : i32 to index
        %parallel_loop3A_394 = arith.index_cast %parallel_loop3A_256 : i32 to index
        %parallel_loop3A_395 = arith.index_cast %parallel_loop3A_275 : i32 to index
        %parallel_loop3A_396 = tpu.vector_load %arg6[%parallel_loop3A_392, %parallel_loop3A_393, %parallel_loop3A_394, %parallel_loop3A_395] {strides = array<i32>} : memref<2x19x8x128xf32, #tpu.memory_space<vmem>>, vector<16xf32>,
        %parallel_loop3A_397 = arith.constant 0 : i32
        %parallel_loop3A_398 = arith.constant 16 : i32
        %parallel_loop3A_399 = arith.index_cast %parallel_loop3A_397 : i32 to index
        %parallel_loop3A_400 = arith.index_cast %parallel_loop3A_398 : i32 to index
        %parallel_loop3A_401 = arith.index_cast %parallel_loop3A_256 : i32 to index
        %parallel_loop3A_402 = arith.index_cast %parallel_loop3A_275 : i32 to index
        %parallel_loop3A_403 = tpu.vector_load %arg6[%parallel_loop3A_399, %parallel_loop3A_400, %parallel_loop3A_401, %parallel_loop3A_402] {strides = array<i32>} : memref<2x19x8x128xf32, #tpu.memory_space<vmem>>, vector<16xf32>,
        %parallel_loop3A_404 = arith.constant 0 : i32
        %parallel_loop3A_405 = arith.constant 17 : i32
        %parallel_loop3A_406 = arith.index_cast %parallel_loop3A_404 : i32 to index
        %parallel_loop3A_407 = arith.index_cast %parallel_loop3A_405 : i32 to index
        %parallel_loop3A_408 = arith.index_cast %parallel_loop3A_256 : i32 to index
        %parallel_loop3A_409 = arith.index_cast %parallel_loop3A_275 : i32 to index
        %parallel_loop3A_410 = tpu.vector_load %arg6[%parallel_loop3A_406, %parallel_loop3A_407, %parallel_loop3A_408, %parallel_loop3A_409] {strides = array<i32>} : memref<2x19x8x128xf32, #tpu.memory_space<vmem>>, vector<16xf32>,
        %parallel_loop3A_411 = arith.constant 0 : i32
        %parallel_loop3A_412 = arith.constant 18 : i32
        %parallel_loop3A_413 = arith.index_cast %parallel_loop3A_411 : i32 to index
        %parallel_loop3A_414 = arith.index_cast %parallel_loop3A_412 : i32 to index
        %parallel_loop3A_415 = arith.index_cast %parallel_loop3A_256 : i32 to index
        %parallel_loop3A_416 = arith.index_cast %parallel_loop3A_275 : i32 to index
        %parallel_loop3A_417 = tpu.vector_load %arg6[%parallel_loop3A_413, %parallel_loop3A_414, %parallel_loop3A_415, %parallel_loop3A_416] {strides = array<i32>} : memref<2x19x8x128xf32, #tpu.memory_space<vmem>>, vector<16xf32>,
        %parallel_loop3A_418 = arith.constant 304 : i32
        %parallel_loop3A_419 = vector.broadcast %parallel_loop3A_418 : i32 to vector<16xi32>
        %parallel_loop3A_420 = arith.addi %parallel_loop3A_284, %parallel_loop3A_419 : vector<16xi32>
        tpu.vector_store_idx %arg7[%parallel_loop3A_420], %broadcast_in_dim3A_38 {add = true} : memref<6144xf32, #tpu.memory_space<vmem>>[vector<16xi32>], vector<16xf32>,
        %parallel_loop3A_421 = arith.constant 0 : i32
        %parallel_loop3A_422 = vector.broadcast %parallel_loop3A_421 : i32 to vector<16xi32>
        %parallel_loop3A_423 = arith.addi %parallel_loop3A_284, %parallel_loop3A_422 : vector<16xi32>
        tpu.vector_store_idx %arg7[%parallel_loop3A_423], %parallel_loop3A_291 {add = true} : memref<6144xf32, #tpu.memory_space<vmem>>[vector<16xi32>], vector<16xf32>,
        %parallel_loop3A_424 = arith.constant 16 : i32
        %parallel_loop3A_425 = vector.broadcast %parallel_loop3A_424 : i32 to vector<16xi32>
        %parallel_loop3A_426 = arith.addi %parallel_loop3A_284, %parallel_loop3A_425 : vector<16xi32>
        tpu.vector_store_idx %arg7[%parallel_loop3A_426], %parallel_loop3A_298 {add = true} : memref<6144xf32, #tpu.memory_space<vmem>>[vector<16xi32>], vector<16xf32>,
        %parallel_loop3A_427 = arith.constant 32 : i32
        %parallel_loop3A_428 = vector.broadcast %parallel_loop3A_427 : i32 to vector<16xi32>
        %parallel_loop3A_429 = arith.addi %parallel_loop3A_284, %parallel_loop3A_428 : vector<16xi32>
        tpu.vector_store_idx %arg7[%parallel_loop3A_429], %parallel_loop3A_305 {add = true} : memref<6144xf32, #tpu.memory_space<vmem>>[vector<16xi32>], vector<16xf32>,
        %parallel_loop3A_430 = arith.constant 48 : i32
        %parallel_loop3A_431 = vector.broadcast %parallel_loop3A_430 : i32 to vector<16xi32>
        %parallel_loop3A_432 = arith.addi %parallel_loop3A_284, %parallel_loop3A_431 : vector<16xi32>
        tpu.vector_store_idx %arg7[%parallel_loop3A_432], %parallel_loop3A_312 {add = true} : memref<6144xf32, #tpu.memory_space<vmem>>[vector<16xi32>], vector<16xf32>,
        %parallel_loop3A_433 = arith.constant 64 : i32
        %parallel_loop3A_434 = vector.broadcast %parallel_loop3A_433 : i32 to vector<16xi32>
        %parallel_loop3A_435 = arith.addi %parallel_loop3A_284, %parallel_loop3A_434 : vector<16xi32>
        tpu.vector_store_idx %arg7[%parallel_loop3A_435], %parallel_loop3A_319 {add = true} : memref<6144xf32, #tpu.memory_space<vmem>>[vector<16xi32>], vector<16xf32>,
        %parallel_loop3A_436 = arith.constant 80 : i32
        %parallel_loop3A_437 = vector.broadcast %parallel_loop3A_436 : i32 to vector<16xi32>
        %parallel_loop3A_438 = arith.addi %parallel_loop3A_284, %parallel_loop3A_437 : vector<16xi32>
        tpu.vector_store_idx %arg7[%parallel_loop3A_438], %parallel_loop3A_326 {add = true} : memref<6144xf32, #tpu.memory_space<vmem>>[vector<16xi32>], vector<16xf32>,
        %parallel_loop3A_439 = arith.constant 96 : i32
        %parallel_loop3A_440 = vector.broadcast %parallel_loop3A_439 : i32 to vector<16xi32>
        %parallel_loop3A_441 = arith.addi %parallel_loop3A_284, %parallel_loop3A_440 : vector<16xi32>
        tpu.vector_store_idx %arg7[%parallel_loop3A_441], %parallel_loop3A_333 {add = true} : memref<6144xf32, #tpu.memory_space<vmem>>[vector<16xi32>], vector<16xf32>,
        %parallel_loop3A_442 = arith.constant 112 : i32
        %parallel_loop3A_443 = vector.broadcast %parallel_loop3A_442 : i32 to vector<16xi32>
        %parallel_loop3A_444 = arith.addi %parallel_loop3A_284, %parallel_loop3A_443 : vector<16xi32>
        tpu.vector_store_idx %arg7[%parallel_loop3A_444], %parallel_loop3A_340 {add = true} : memref<6144xf32, #tpu.memory_space<vmem>>[vector<16xi32>], vector<16xf32>,
        %parallel_loop3A_445 = arith.constant 128 : i32
        %parallel_loop3A_446 = vector.broadcast %parallel_loop3A_445 : i32 to vector<16xi32>
        %parallel_loop3A_447 = arith.addi %parallel_loop3A_284, %parallel_loop3A_446 : vector<16xi32>
        tpu.vector_store_idx %arg7[%parallel_loop3A_447], %parallel_loop3A_347 {add = true} : memref<6144xf32, #tpu.memory_space<vmem>>[vector<16xi32>], vector<16xf32>,
        %parallel_loop3A_448 = arith.constant 144 : i32
        %parallel_loop3A_449 = vector.broadcast %parallel_loop3A_448 : i32 to vector<16xi32>
        %parallel_loop3A_450 = arith.addi %parallel_loop3A_284, %parallel_loop3A_449 : vector<16xi32>
        tpu.vector_store_idx %arg7[%parallel_loop3A_450], %parallel_loop3A_354 {add = true} : memref<6144xf32, #tpu.memory_space<vmem>>[vector<16xi32>], vector<16xf32>,
        %parallel_loop3A_451 = arith.constant 160 : i32
        %parallel_loop3A_452 = vector.broadcast %parallel_loop3A_451 : i32 to vector<16xi32>
        %parallel_loop3A_453 = arith.addi %parallel_loop3A_284, %parallel_loop3A_452 : vector<16xi32>
        tpu.vector_store_idx %arg7[%parallel_loop3A_453], %parallel_loop3A_361 {add = true} : memref<6144xf32, #tpu.memory_space<vmem>>[vector<16xi32>], vector<16xf32>,
        %parallel_loop3A_454 = arith.constant 176 : i32
        %parallel_loop3A_455 = vector.broadcast %parallel_loop3A_454 : i32 to vector<16xi32>
        %parallel_loop3A_456 = arith.addi %parallel_loop3A_284, %parallel_loop3A_455 : vector<16xi32>
        tpu.vector_store_idx %arg7[%parallel_loop3A_456], %parallel_loop3A_368 {add = true} : memref<6144xf32, #tpu.memory_space<vmem>>[vector<16xi32>], vector<16xf32>,
        %parallel_loop3A_457 = arith.constant 192 : i32
        %parallel_loop3A_458 = vector.broadcast %parallel_loop3A_457 : i32 to vector<16xi32>
        %parallel_loop3A_459 = arith.addi %parallel_loop3A_284, %parallel_loop3A_458 : vector<16xi32>
        tpu.vector_store_idx %arg7[%parallel_loop3A_459], %parallel_loop3A_375 {add = true} : memref<6144xf32, #tpu.memory_space<vmem>>[vector<16xi32>], vector<16xf32>,
        %parallel_loop3A_460 = arith.constant 208 : i32
        %parallel_loop3A_461 = vector.broadcast %parallel_loop3A_460 : i32 to vector<16xi32>
        %parallel_loop3A_462 = arith.addi %parallel_loop3A_284, %parallel_loop3A_461 : vector<16xi32>
        tpu.vector_store_idx %arg7[%parallel_loop3A_462], %parallel_loop3A_382 {add = true} : memref<6144xf32, #tpu.memory_space<vmem>>[vector<16xi32>], vector<16xf32>,
        %parallel_loop3A_463 = arith.constant 224 : i32
        %parallel_loop3A_464 = vector.broadcast %parallel_loop3A_463 : i32 to vector<16xi32>
        %parallel_loop3A_465 = arith.addi %parallel_loop3A_284, %parallel_loop3A_464 : vector<16xi32>
        tpu.vector_store_idx %arg7[%parallel_loop3A_465], %parallel_loop3A_389 {add = true} : memref<6144xf32, #tpu.memory_space<vmem>>[vector<16xi32>], vector<16xf32>,
        %parallel_loop3A_466 = arith.constant 240 : i32
        %parallel_loop3A_467 = vector.broadcast %parallel_loop3A_466 : i32 to vector<16xi32>
        %parallel_loop3A_468 = arith.addi %parallel_loop3A_284, %parallel_loop3A_467 : vector<16xi32>
        tpu.vector_store_idx %arg7[%parallel_loop3A_468], %parallel_loop3A_396 {add = true} : memref<6144xf32, #tpu.memory_space<vmem>>[vector<16xi32>], vector<16xf32>,
        %parallel_loop3A_469 = arith.constant 256 : i32
        %parallel_loop3A_470 = vector.broadcast %parallel_loop3A_469 : i32 to vector<16xi32>
        %parallel_loop3A_471 = arith.addi %parallel_loop3A_284, %parallel_loop3A_470 : vector<16xi32>
        tpu.vector_store_idx %arg7[%parallel_loop3A_471], %parallel_loop3A_403 {add = true} : memref<6144xf32, #tpu.memory_space<vmem>>[vector<16xi32>], vector<16xf32>,
        %parallel_loop3A_472 = arith.constant 272 : i32
        %parallel_loop3A_473 = vector.broadcast %parallel_loop3A_472 : i32 to vector<16xi32>
        %parallel_loop3A_474 = arith.addi %parallel_loop3A_284, %parallel_loop3A_473 : vector<16xi32>
        tpu.vector_store_idx %arg7[%parallel_loop3A_474], %parallel_loop3A_410 {add = true} : memref<6144xf32, #tpu.memory_space<vmem>>[vector<16xi32>], vector<16xf32>,
        %parallel_loop3A_475 = arith.constant 288 : i32
        %parallel_loop3A_476 = vector.broadcast %parallel_loop3A_475 : i32 to vector<16xi32>
        %parallel_loop3A_477 = arith.addi %parallel_loop3A_284, %parallel_loop3A_476 : vector<16xi32>
        tpu.vector_store_idx %arg7[%parallel_loop3A_477], %parallel_loop3A_417 {add = true} : memref<6144xf32, #tpu.memory_space<vmem>>[vector<16xi32>], vector<16xf32>,
      } {sc.loop_unroll_factor = 2 : i64, sc.parallel_access}
      %add3A_177 = arith.constant 2 : i32
      %add3A_178 = arith.addi %mul3A_135, %add3A_177 : i32
      %lt3A_179 = arith.constant 30 : i32
      %lt3A_180 = arith.cmpi slt, %add3A_178, %lt3A_179 : i32
      %convert_element_type3A = arith.extui %lt3A_180 : i1 to i32
      %cond3A = arith.constant 0 : i32
      %cond3A_181 = arith.cmpi ne, %convert_element_type3A, %cond3A : i32
      scf.if %cond3A_181 {
        %add3A_232 = arith.constant 2 : i32
        %add3A_233 = arith.addi %mul3A_135, %add3A_232 : i32
        %jit3A_234 = arith.constant 3 : i32
        %div3A_235 = arith.divsi %add3A_233, %jit3A_234 : i32
        %sign3A_236 = arith.constant 0 : i32
        %sign3A_237 = arith.cmpi sgt, %add3A_233, %sign3A_236 : i32
        %sign3A_238 = arith.extui %sign3A_237 : i1 to i32
        %sign3A_239 = arith.constant 0 : i32
        %sign3A_240 = arith.cmpi slt, %add3A_233, %sign3A_239 : i32
        %sign3A_241 = arith.extui %sign3A_240 : i1 to i32
        %sign3A_242 = arith.subi %sign3A_238, %sign3A_241 : i32
        %sign3A_243 = arith.constant 0 : i32
        %sign3A_244 = arith.cmpi sgt, %jit3A_234, %sign3A_243 : i32
        %sign3A_245 = arith.extui %sign3A_244 : i1 to i32
        %sign3A_246 = arith.constant 0 : i32
        %sign3A_247 = arith.cmpi slt, %jit3A_234, %sign3A_246 : i32
        %sign3A_248 = arith.extui %sign3A_247 : i1 to i32
        %sign3A_249 = arith.subi %sign3A_245, %sign3A_248 : i32
        %ne3A_250 = arith.cmpi ne, %sign3A_242, %sign3A_249 : i32
        %rem3A_251 = arith.remsi %add3A_233, %jit3A_234 : i32
        %ne3A_252 = arith.constant 0 : i32
        %ne3A_253 = arith.cmpi ne, %rem3A_251, %ne3A_252 : i32
        %and3A_254 = arith.andi %ne3A_250, %ne3A_253 : i1
        %sub3A_255 = arith.constant 1 : i32
        %sub3A_256 = arith.subi %div3A_235, %sub3A_255 : i32
        %select_n3A_257 = arith.select %and3A_254, %sub3A_256, %div3A_235 : i32
        %jit3A_258 = arith.constant 3 : i32
        %eq3A_259 = arith.constant 0 : i32
        %eq3A_260 = arith.cmpi eq, %jit3A_258, %eq3A_259 : i32
        %jit3A_261 = arith.constant 1 : i32
        %select_n3A_262 = arith.select %eq3A_260, %jit3A_261, %jit3A_258 : i32
        %rem3A_263 = arith.remsi %add3A_233, %select_n3A_262 : i32
        %ne3A_264 = arith.constant 0 : i32
        %ne3A_265 = arith.cmpi ne, %rem3A_263, %ne3A_264 : i32
        %lt3A_266 = arith.constant 0 : i32
        %lt3A_267 = arith.cmpi slt, %rem3A_263, %lt3A_266 : i32
        %lt3A_268 = arith.constant 0 : i32
        %lt3A_269 = arith.cmpi slt, %select_n3A_262, %lt3A_268 : i32
        %ne3A_270 = arith.xori %lt3A_267, %lt3A_269 : i1
        %and3A_271 = arith.andi %ne3A_270, %ne3A_265 : i1
        %add3A_272 = arith.addi %rem3A_263, %select_n3A_262 : i32
        %select_n3A_273 = arith.select %and3A_271, %add3A_272, %rem3A_263 : i32
        %mul3A_274 = arith.constant 80 : i32
        %mul3A_275 = arith.muli %select_n3A_30, %mul3A_274 : i32
        %add3A_276 = arith.constant 64 : i32
        %add3A_277 = arith.addi %add3A_276, %mul3A_275 : i32
        %mul3A_278 = arith.constant 8 : i32
        %mul3A_279 = arith.muli %select_n3A_257, %mul3A_278 : i32
        %add3A_280 = arith.addi %add3A_277, %mul3A_279 : i32
        %mul3A_281 = arith.constant 128 : i32
        %mul3A_282 = arith.muli %select_n3A_273, %mul3A_281 : i32
        %dma_start3A_283 = arith.constant 0 : i32
        %dma_start3A_284 = arith.constant 0 : i32
        %dma_start3A_285 = arith.constant 0 : i32
        %dma_start3A_286 = tpu.memref_slice %arg5[%dma_start3A_283, %dma_start3A_284, %dma_start3A_285] : memref<2x8x128xi32, #tpu.memory_space<vmem>> -> memref<1x8x128xi32, #tpu.memory_space<vmem>>
        %dma_start3A_287 = tpu.memref_squeeze %dma_start3A_286 : memref<1x8x128xi32, #tpu.memory_space<vmem>> -> memref<8x128xi32, #tpu.memory_space<vmem>>
        %dma_start3A_288 = tpu.memref_slice %arg2[%select_n3A, %add3A_280, %mul3A_282] : memref<8x384x384xi32, #tpu.memory_space<hbm>> -> memref<1x8x128xi32, #tpu.memory_space<hbm>>
        %dma_start3A_289 = tpu.memref_squeeze %dma_start3A_288 : memref<1x8x128xi32, #tpu.memory_space<hbm>> -> memref<8x128xi32, #tpu.memory_space<hbm>>
        %dma_start3A_290 = arith.constant 0 : i32
        %dma_start3A_291 = arith.constant 0 : i32
        %dma_start3A_292 = tpu.memref_slice %arg5[%dma_start3A_283, %dma_start3A_290, %dma_start3A_291] : memref<2x8x128xi32, #tpu.memory_space<vmem>> -> memref<1x8x128xi32, #tpu.memory_space<vmem>>
        %dma_start3A_293 = tpu.memref_squeeze %dma_start3A_292 : memref<1x8x128xi32, #tpu.memory_space<vmem>> -> memref<8x128xi32, #tpu.memory_space<vmem>>
        %dma_start3A_294 = tpu.memref_slice %arg2[%select_n3A, %add3A_280, %mul3A_282] : memref<8x384x384xi32, #tpu.memory_space<hbm>> -> memref<1x8x128xi32, #tpu.memory_space<hbm>>
        %dma_start3A_295 = tpu.memref_squeeze %dma_start3A_294 : memref<1x8x128xi32, #tpu.memory_space<hbm>> -> memref<8x128xi32, #tpu.memory_space<hbm>>
        tpu.enqueue_dma source(%dma_start3A_295 : memref<8x128xi32, #tpu.memory_space<hbm>>) target(%dma_start3A_293 : memref<8x128xi32, #tpu.memory_space<vmem>>) target_semaphore(%arg9 : memref<!tpu.dma_semaphore, #tpu.memory_space<semaphore_mem>>)
        %dma_start3A_296 = arith.constant 0 : i32
        %dma_start3A_297 = arith.constant 0 : i32
        %dma_start3A_298 = arith.constant 0 : i32
        %dma_start3A_299 = arith.constant 0 : i32
        %dma_start3A_300 = tpu.memref_slice %arg6[%dma_start3A_296, %dma_start3A_297, %dma_start3A_298, %dma_start3A_299] : memref<2x19x8x128xf32, #tpu.memory_space<vmem>> -> memref<1x19x8x128xf32, #tpu.memory_space<vmem>>
        %dma_start3A_301 = tpu.memref_squeeze %dma_start3A_300 : memref<1x19x8x128xf32, #tpu.memory_space<vmem>> -> memref<19x8x128xf32, #tpu.memory_space<vmem>>
        %dma_start3A_302 = arith.constant 0 : i32
        %dma_start3A_303 = tpu.memref_slice %arg3[%select_n3A, %dma_start3A_302, %add3A_280, %mul3A_282] : memref<8x19x384x384xf32, #tpu.memory_space<hbm>> -> memref<1x19x8x128xf32, #tpu.memory_space<hbm>>
        %dma_start3A_304 = tpu.memref_squeeze %dma_start3A_303 : memref<1x19x8x128xf32, #tpu.memory_space<hbm>> -> memref<19x8x128xf32, #tpu.memory_space<hbm>>
        %dma_start3A_305 = arith.constant 0 : i32
        %dma_start3A_306 = arith.constant 0 : i32
        %dma_start3A_307 = arith.constant 0 : i32
        %dma_start3A_308 = tpu.memref_slice %arg6[%dma_start3A_296, %dma_start3A_305, %dma_start3A_306, %dma_start3A_307] : memref<2x19x8x128xf32, #tpu.memory_space<vmem>> -> memref<1x19x8x128xf32, #tpu.memory_space<vmem>>
        %dma_start3A_309 = tpu.memref_squeeze %dma_start3A_308 : memref<1x19x8x128xf32, #tpu.memory_space<vmem>> -> memref<19x8x128xf32, #tpu.memory_space<vmem>>
        %dma_start3A_310 = arith.constant 0 : i32
        %dma_start3A_311 = tpu.memref_slice %arg3[%select_n3A, %dma_start3A_310, %add3A_280, %mul3A_282] : memref<8x19x384x384xf32, #tpu.memory_space<hbm>> -> memref<1x19x8x128xf32, #tpu.memory_space<hbm>>
        %dma_start3A_312 = tpu.memref_squeeze %dma_start3A_311 : memref<1x19x8x128xf32, #tpu.memory_space<hbm>> -> memref<19x8x128xf32, #tpu.memory_space<hbm>>
        tpu.enqueue_dma source(%dma_start3A_312 : memref<19x8x128xf32, #tpu.memory_space<hbm>>) target(%dma_start3A_309 : memref<19x8x128xf32, #tpu.memory_space<vmem>>) target_semaphore(%arg11 : memref<!tpu.dma_semaphore, #tpu.memory_space<semaphore_mem>>)
      } else {
      }
      %dma_wait3A_182 = arith.constant 0 : i32
      %dma_wait3A_183 = arith.constant 1 : i32
      %dma_wait3A_184 = arith.constant 0 : i32
      %dma_wait3A_185 = arith.constant 0 : i32
      %dma_wait3A_186 = tpu.memref_slice %arg5[%dma_wait3A_183, %dma_wait3A_184, %dma_wait3A_185] : memref<2x8x128xi32, #tpu.memory_space<vmem>> -> memref<1x8x128xi32, #tpu.memory_space<vmem>>
      %dma_wait3A_187 = tpu.memref_squeeze %dma_wait3A_186 : memref<1x8x128xi32, #tpu.memory_space<vmem>> -> memref<8x128xi32, #tpu.memory_space<vmem>>
      %dma_wait3A_188 = arith.constant 0 : i32
      %dma_wait3A_189 = arith.constant 0 : i32
      %dma_wait3A_190 = tpu.memref_slice %arg2[%dma_wait3A_182, %dma_wait3A_188, %dma_wait3A_189] : memref<8x384x384xi32, #tpu.memory_space<hbm>> -> memref<1x8x128xi32, #tpu.memory_space<hbm>>
      %dma_wait3A_191 = tpu.memref_squeeze %dma_wait3A_190 : memref<1x8x128xi32, #tpu.memory_space<hbm>> -> memref<8x128xi32, #tpu.memory_space<hbm>>
      %dma_wait3A_192 = arith.constant 0 : i32
      %dma_wait3A_193 = arith.constant 0 : i32
      %dma_wait3A_194 = tpu.memref_slice %arg5[%dma_wait3A_183, %dma_wait3A_192, %dma_wait3A_193] : memref<2x8x128xi32, #tpu.memory_space<vmem>> -> memref<1x8x128xi32, #tpu.memory_space<vmem>>
      %dma_wait3A_195 = tpu.memref_squeeze %dma_wait3A_194 : memref<1x8x128xi32, #tpu.memory_space<vmem>> -> memref<8x128xi32, #tpu.memory_space<vmem>>
      %dma_wait3A_196 = arith.constant 0 : i32
      %dma_wait3A_197 = arith.constant 0 : i32
      %dma_wait3A_198 = tpu.memref_slice %arg2[%dma_wait3A_182, %dma_wait3A_196, %dma_wait3A_197] : memref<8x384x384xi32, #tpu.memory_space<hbm>> -> memref<1x8x128xi32, #tpu.memory_space<hbm>>
      %dma_wait3A_199 = tpu.memref_squeeze %dma_wait3A_198 : memref<1x8x128xi32, #tpu.memory_space<hbm>> -> memref<8x128xi32, #tpu.memory_space<hbm>>
      tpu.wait_dma2 semaphore(%arg10 : memref<!tpu.dma_semaphore, #tpu.memory_space<semaphore_mem>>) src(%dma_wait3A_199 : memref<8x128xi32, #tpu.memory_space<hbm>>) dst(%dma_wait3A_195 : memref<8x128xi32, #tpu.memory_space<vmem>>)
      %dma_wait3A_200 = arith.constant 0 : i32
      %dma_wait3A_201 = arith.constant 1 : i32
      %dma_wait3A_202 = arith.constant 0 : i32
      %dma_wait3A_203 = arith.constant 0 : i32
      %dma_wait3A_204 = arith.constant 0 : i32
      %dma_wait3A_205 = tpu.memref_slice %arg6[%dma_wait3A_201, %dma_wait3A_202, %dma_wait3A_203, %dma_wait3A_204] : memref<2x19x8x128xf32, #tpu.memory_space<vmem>> -> memref<1x19x8x128xf32, #tpu.memory_space<vmem>>
      %dma_wait3A_206 = tpu.memref_squeeze %dma_wait3A_205 : memref<1x19x8x128xf32, #tpu.memory_space<vmem>> -> memref<19x8x128xf32, #tpu.memory_space<vmem>>
      %dma_wait3A_207 = arith.constant 0 : i32
      %dma_wait3A_208 = arith.constant 0 : i32
      %dma_wait3A_209 = arith.constant 0 : i32
      %dma_wait3A_210 = tpu.memref_slice %arg3[%dma_wait3A_200, %dma_wait3A_207, %dma_wait3A_208, %dma_wait3A_209] : memref<8x19x384x384xf32, #tpu.memory_space<hbm>> -> memref<1x19x8x128xf32, #tpu.memory_space<hbm>>
      %dma_wait3A_211 = tpu.memref_squeeze %dma_wait3A_210 : memref<1x19x8x128xf32, #tpu.memory_space<hbm>> -> memref<19x8x128xf32, #tpu.memory_space<hbm>>
      %dma_wait3A_212 = arith.constant 0 : i32
      %dma_wait3A_213 = arith.constant 0 : i32
      %dma_wait3A_214 = arith.constant 0 : i32
      %dma_wait3A_215 = tpu.memref_slice %arg6[%dma_wait3A_201, %dma_wait3A_212, %dma_wait3A_213, %dma_wait3A_214] : memref<2x19x8x128xf32, #tpu.memory_space<vmem>> -> memref<1x19x8x128xf32, #tpu.memory_space<vmem>>
      %dma_wait3A_216 = tpu.memref_squeeze %dma_wait3A_215 : memref<1x19x8x128xf32, #tpu.memory_space<vmem>> -> memref<19x8x128xf32, #tpu.memory_space<vmem>>
      %dma_wait3A_217 = arith.constant 0 : i32
      %dma_wait3A_218 = arith.constant 0 : i32
      %dma_wait3A_219 = arith.constant 0 : i32
      %dma_wait3A_220 = tpu.memref_slice %arg3[%dma_wait3A_200, %dma_wait3A_217, %dma_wait3A_218, %dma_wait3A_219] : memref<8x19x384x384xf32, #tpu.memory_space<hbm>> -> memref<1x19x8x128xf32, #tpu.memory_space<hbm>>
      %dma_wait3A_221 = tpu.memref_squeeze %dma_wait3A_220 : memref<1x19x8x128xf32, #tpu.memory_space<hbm>> -> memref<19x8x128xf32, #tpu.memory_space<hbm>>
      tpu.wait_dma2 semaphore(%arg12 : memref<!tpu.dma_semaphore, #tpu.memory_space<semaphore_mem>>) src(%dma_wait3A_221 : memref<19x8x128xf32, #tpu.memory_space<hbm>>) dst(%dma_wait3A_216 : memref<19x8x128xf32, #tpu.memory_space<vmem>>)
      %parallel_loop3A_222 = arith.constant 0 : i32
      %parallel_loop3A_223 = arith.constant 64 : i32
      %parallel_loop3A_224 = arith.constant 1 : i32
      scf.for %parallel_loop3A_232 = %parallel_loop3A_222 to %parallel_loop3A_223 step %parallel_loop3A_224  : i32 {
        %parallel_loop3A_233 = arith.constant 8 : i32
        %parallel_loop3A_234 = arith.divsi %parallel_loop3A_232, %parallel_loop3A_233 : i32
        %parallel_loop3A_235 = arith.constant 0 : i32
        %parallel_loop3A_236 = arith.cmpi sgt, %parallel_loop3A_232, %parallel_loop3A_235 : i32
        %parallel_loop3A_237 = arith.extui %parallel_loop3A_236 : i1 to i32
        %parallel_loop3A_238 = arith.constant 0 : i32
        %parallel_loop3A_239 = arith.cmpi slt, %parallel_loop3A_232, %parallel_loop3A_238 : i32
        %parallel_loop3A_240 = arith.extui %parallel_loop3A_239 : i1 to i32
        %parallel_loop3A_241 = arith.subi %parallel_loop3A_237, %parallel_loop3A_240 : i32
        %parallel_loop3A_242 = arith.constant 0 : i32
        %parallel_loop3A_243 = arith.cmpi sgt, %parallel_loop3A_233, %parallel_loop3A_242 : i32
        %parallel_loop3A_244 = arith.extui %parallel_loop3A_243 : i1 to i32
        %parallel_loop3A_245 = arith.constant 0 : i32
        %parallel_loop3A_246 = arith.cmpi slt, %parallel_loop3A_233, %parallel_loop3A_245 : i32
        %parallel_loop3A_247 = arith.extui %parallel_loop3A_246 : i1 to i32
        %parallel_loop3A_248 = arith.subi %parallel_loop3A_244, %parallel_loop3A_247 : i32
        %parallel_loop3A_249 = arith.cmpi ne, %parallel_loop3A_241, %parallel_loop3A_248 : i32
        %parallel_loop3A_250 = arith.remsi %parallel_loop3A_232, %parallel_loop3A_233 : i32
        %parallel_loop3A_251 = arith.constant 0 : i32
        %parallel_loop3A_252 = arith.cmpi ne, %parallel_loop3A_250, %parallel_loop3A_251 : i32
        %parallel_loop3A_253 = arith.andi %parallel_loop3A_249, %parallel_loop3A_252 : i1
        %parallel_loop3A_254 = arith.constant 1 : i32
        %parallel_loop3A_255 = arith.subi %parallel_loop3A_234, %parallel_loop3A_254 : i32
        %parallel_loop3A_256 = arith.select %parallel_loop3A_253, %parallel_loop3A_255, %parallel_loop3A_234 : i32
        %parallel_loop3A_257 = arith.constant 8 : i32
        %parallel_loop3A_258 = arith.constant 0 : i32
        %parallel_loop3A_259 = arith.cmpi eq, %parallel_loop3A_257, %parallel_loop3A_258 : i32
        %parallel_loop3A_260 = arith.constant 1 : i32
        %parallel_loop3A_261 = arith.select %parallel_loop3A_259, %parallel_loop3A_260, %parallel_loop3A_257 : i32
        %parallel_loop3A_262 = arith.remsi %parallel_loop3A_232, %parallel_loop3A_261 : i32
        %parallel_loop3A_263 = arith.constant 0 : i32
        %parallel_loop3A_264 = arith.cmpi ne, %parallel_loop3A_262, %parallel_loop3A_263 : i32
        %parallel_loop3A_265 = arith.constant 0 : i32
        %parallel_loop3A_266 = arith.cmpi slt, %parallel_loop3A_262, %parallel_loop3A_265 : i32
        %parallel_loop3A_267 = arith.constant 0 : i32
        %parallel_loop3A_268 = arith.cmpi slt, %parallel_loop3A_261, %parallel_loop3A_267 : i32
        %parallel_loop3A_269 = arith.xori %parallel_loop3A_266, %parallel_loop3A_268 : i1
        %parallel_loop3A_270 = arith.andi %parallel_loop3A_269, %parallel_loop3A_264 : i1
        %parallel_loop3A_271 = arith.addi %parallel_loop3A_262, %parallel_loop3A_261 : i32
        %parallel_loop3A_272 = arith.select %parallel_loop3A_270, %parallel_loop3A_271, %parallel_loop3A_262 : i32
        %parallel_loop3A_273 = arith.constant 16 : i32
        %parallel_loop3A_274 = arith.muli %parallel_loop3A_272, %parallel_loop3A_273 : i32
        %parallel_loop3A_275 = tpu.assume_multiple %parallel_loop3A_274, 16 : i32
        %parallel_loop3A_276 = arith.constant 1 : i32
        %parallel_loop3A_277 = arith.index_cast %parallel_loop3A_276 : i32 to index
        %parallel_loop3A_278 = arith.index_cast %parallel_loop3A_256 : i32 to index
        %parallel_loop3A_279 = arith.index_cast %parallel_loop3A_275 : i32 to index
        %parallel_loop3A_280 = tpu.vector_load %arg5[%parallel_loop3A_277, %parallel_loop3A_278, %parallel_loop3A_279] {strides = array<i32>} : memref<2x8x128xi32, #tpu.memory_space<vmem>>, vector<16xi32>,
        %parallel_loop3A_281 = arith.constant 320 : i32
        %parallel_loop3A_282 = vector.broadcast %parallel_loop3A_281 : i32 to vector<16xi32>
        %parallel_loop3A_283 = arith.muli %parallel_loop3A_280, %parallel_loop3A_282 : vector<16xi32>
        %parallel_loop3A_284 = arith.addi %parallel_loop3A_283, %iota3A : vector<16xi32>
        %parallel_loop3A_285 = arith.constant 1 : i32
        %parallel_loop3A_286 = arith.constant 0 : i32
        %parallel_loop3A_287 = arith.index_cast %parallel_loop3A_285 : i32 to index
        %parallel_loop3A_288 = arith.index_cast %parallel_loop3A_286 : i32 to index
        %parallel_loop3A_289 = arith.index_cast %parallel_loop3A_256 : i32 to index
        %parallel_loop3A_290 = arith.index_cast %parallel_loop3A_275 : i32 to index
        %parallel_loop3A_291 = tpu.vector_load %arg6[%parallel_loop3A_287, %parallel_loop3A_288, %parallel_loop3A_289, %parallel_loop3A_290] {strides = array<i32>} : memref<2x19x8x128xf32, #tpu.memory_space<vmem>>, vector<16xf32>,
        %parallel_loop3A_292 = arith.constant 1 : i32
        %parallel_loop3A_293 = arith.constant 1 : i32
        %parallel_loop3A_294 = arith.index_cast %parallel_loop3A_292 : i32 to index
        %parallel_loop3A_295 = arith.index_cast %parallel_loop3A_293 : i32 to index
        %parallel_loop3A_296 = arith.index_cast %parallel_loop3A_256 : i32 to index
        %parallel_loop3A_297 = arith.index_cast %parallel_loop3A_275 : i32 to index
        %parallel_loop3A_298 = tpu.vector_load %arg6[%parallel_loop3A_294, %parallel_loop3A_295, %parallel_loop3A_296, %parallel_loop3A_297] {strides = array<i32>} : memref<2x19x8x128xf32, #tpu.memory_space<vmem>>, vector<16xf32>,
        %parallel_loop3A_299 = arith.constant 1 : i32
        %parallel_loop3A_300 = arith.constant 2 : i32
        %parallel_loop3A_301 = arith.index_cast %parallel_loop3A_299 : i32 to index
        %parallel_loop3A_302 = arith.index_cast %parallel_loop3A_300 : i32 to index
        %parallel_loop3A_303 = arith.index_cast %parallel_loop3A_256 : i32 to index
        %parallel_loop3A_304 = arith.index_cast %parallel_loop3A_275 : i32 to index
        %parallel_loop3A_305 = tpu.vector_load %arg6[%parallel_loop3A_301, %parallel_loop3A_302, %parallel_loop3A_303, %parallel_loop3A_304] {strides = array<i32>} : memref<2x19x8x128xf32, #tpu.memory_space<vmem>>, vector<16xf32>,
        %parallel_loop3A_306 = arith.constant 1 : i32
        %parallel_loop3A_307 = arith.constant 3 : i32
        %parallel_loop3A_308 = arith.index_cast %parallel_loop3A_306 : i32 to index
        %parallel_loop3A_309 = arith.index_cast %parallel_loop3A_307 : i32 to index
        %parallel_loop3A_310 = arith.index_cast %parallel_loop3A_256 : i32 to index
        %parallel_loop3A_311 = arith.index_cast %parallel_loop3A_275 : i32 to index
        %parallel_loop3A_312 = tpu.vector_load %arg6[%parallel_loop3A_308, %parallel_loop3A_309, %parallel_loop3A_310, %parallel_loop3A_311] {strides = array<i32>} : memref<2x19x8x128xf32, #tpu.memory_space<vmem>>, vector<16xf32>,
        %parallel_loop3A_313 = arith.constant 1 : i32
        %parallel_loop3A_314 = arith.constant 4 : i32
        %parallel_loop3A_315 = arith.index_cast %parallel_loop3A_313 : i32 to index
        %parallel_loop3A_316 = arith.index_cast %parallel_loop3A_314 : i32 to index
        %parallel_loop3A_317 = arith.index_cast %parallel_loop3A_256 : i32 to index
        %parallel_loop3A_318 = arith.index_cast %parallel_loop3A_275 : i32 to index
        %parallel_loop3A_319 = tpu.vector_load %arg6[%parallel_loop3A_315, %parallel_loop3A_316, %parallel_loop3A_317, %parallel_loop3A_318] {strides = array<i32>} : memref<2x19x8x128xf32, #tpu.memory_space<vmem>>, vector<16xf32>,
        %parallel_loop3A_320 = arith.constant 1 : i32
        %parallel_loop3A_321 = arith.constant 5 : i32
        %parallel_loop3A_322 = arith.index_cast %parallel_loop3A_320 : i32 to index
        %parallel_loop3A_323 = arith.index_cast %parallel_loop3A_321 : i32 to index
        %parallel_loop3A_324 = arith.index_cast %parallel_loop3A_256 : i32 to index
        %parallel_loop3A_325 = arith.index_cast %parallel_loop3A_275 : i32 to index
        %parallel_loop3A_326 = tpu.vector_load %arg6[%parallel_loop3A_322, %parallel_loop3A_323, %parallel_loop3A_324, %parallel_loop3A_325] {strides = array<i32>} : memref<2x19x8x128xf32, #tpu.memory_space<vmem>>, vector<16xf32>,
        %parallel_loop3A_327 = arith.constant 1 : i32
        %parallel_loop3A_328 = arith.constant 6 : i32
        %parallel_loop3A_329 = arith.index_cast %parallel_loop3A_327 : i32 to index
        %parallel_loop3A_330 = arith.index_cast %parallel_loop3A_328 : i32 to index
        %parallel_loop3A_331 = arith.index_cast %parallel_loop3A_256 : i32 to index
        %parallel_loop3A_332 = arith.index_cast %parallel_loop3A_275 : i32 to index
        %parallel_loop3A_333 = tpu.vector_load %arg6[%parallel_loop3A_329, %parallel_loop3A_330, %parallel_loop3A_331, %parallel_loop3A_332] {strides = array<i32>} : memref<2x19x8x128xf32, #tpu.memory_space<vmem>>, vector<16xf32>,
        %parallel_loop3A_334 = arith.constant 1 : i32
        %parallel_loop3A_335 = arith.constant 7 : i32
        %parallel_loop3A_336 = arith.index_cast %parallel_loop3A_334 : i32 to index
        %parallel_loop3A_337 = arith.index_cast %parallel_loop3A_335 : i32 to index
        %parallel_loop3A_338 = arith.index_cast %parallel_loop3A_256 : i32 to index
        %parallel_loop3A_339 = arith.index_cast %parallel_loop3A_275 : i32 to index
        %parallel_loop3A_340 = tpu.vector_load %arg6[%parallel_loop3A_336, %parallel_loop3A_337, %parallel_loop3A_338, %parallel_loop3A_339] {strides = array<i32>} : memref<2x19x8x128xf32, #tpu.memory_space<vmem>>, vector<16xf32>,
        %parallel_loop3A_341 = arith.constant 1 : i32
        %parallel_loop3A_342 = arith.constant 8 : i32
        %parallel_loop3A_343 = arith.index_cast %parallel_loop3A_341 : i32 to index
        %parallel_loop3A_344 = arith.index_cast %parallel_loop3A_342 : i32 to index
        %parallel_loop3A_345 = arith.index_cast %parallel_loop3A_256 : i32 to index
        %parallel_loop3A_346 = arith.index_cast %parallel_loop3A_275 : i32 to index
        %parallel_loop3A_347 = tpu.vector_load %arg6[%parallel_loop3A_343, %parallel_loop3A_344, %parallel_loop3A_345, %parallel_loop3A_346] {strides = array<i32>} : memref<2x19x8x128xf32, #tpu.memory_space<vmem>>, vector<16xf32>,
        %parallel_loop3A_348 = arith.constant 1 : i32
        %parallel_loop3A_349 = arith.constant 9 : i32
        %parallel_loop3A_350 = arith.index_cast %parallel_loop3A_348 : i32 to index
        %parallel_loop3A_351 = arith.index_cast %parallel_loop3A_349 : i32 to index
        %parallel_loop3A_352 = arith.index_cast %parallel_loop3A_256 : i32 to index
        %parallel_loop3A_353 = arith.index_cast %parallel_loop3A_275 : i32 to index
        %parallel_loop3A_354 = tpu.vector_load %arg6[%parallel_loop3A_350, %parallel_loop3A_351, %parallel_loop3A_352, %parallel_loop3A_353] {strides = array<i32>} : memref<2x19x8x128xf32, #tpu.memory_space<vmem>>, vector<16xf32>,
        %parallel_loop3A_355 = arith.constant 1 : i32
        %parallel_loop3A_356 = arith.constant 10 : i32
        %parallel_loop3A_357 = arith.index_cast %parallel_loop3A_355 : i32 to index
        %parallel_loop3A_358 = arith.index_cast %parallel_loop3A_356 : i32 to index
        %parallel_loop3A_359 = arith.index_cast %parallel_loop3A_256 : i32 to index
        %parallel_loop3A_360 = arith.index_cast %parallel_loop3A_275 : i32 to index
        %parallel_loop3A_361 = tpu.vector_load %arg6[%parallel_loop3A_357, %parallel_loop3A_358, %parallel_loop3A_359, %parallel_loop3A_360] {strides = array<i32>} : memref<2x19x8x128xf32, #tpu.memory_space<vmem>>, vector<16xf32>,
        %parallel_loop3A_362 = arith.constant 1 : i32
        %parallel_loop3A_363 = arith.constant 11 : i32
        %parallel_loop3A_364 = arith.index_cast %parallel_loop3A_362 : i32 to index
        %parallel_loop3A_365 = arith.index_cast %parallel_loop3A_363 : i32 to index
        %parallel_loop3A_366 = arith.index_cast %parallel_loop3A_256 : i32 to index
        %parallel_loop3A_367 = arith.index_cast %parallel_loop3A_275 : i32 to index
        %parallel_loop3A_368 = tpu.vector_load %arg6[%parallel_loop3A_364, %parallel_loop3A_365, %parallel_loop3A_366, %parallel_loop3A_367] {strides = array<i32>} : memref<2x19x8x128xf32, #tpu.memory_space<vmem>>, vector<16xf32>,
        %parallel_loop3A_369 = arith.constant 1 : i32
        %parallel_loop3A_370 = arith.constant 12 : i32
        %parallel_loop3A_371 = arith.index_cast %parallel_loop3A_369 : i32 to index
        %parallel_loop3A_372 = arith.index_cast %parallel_loop3A_370 : i32 to index
        %parallel_loop3A_373 = arith.index_cast %parallel_loop3A_256 : i32 to index
        %parallel_loop3A_374 = arith.index_cast %parallel_loop3A_275 : i32 to index
        %parallel_loop3A_375 = tpu.vector_load %arg6[%parallel_loop3A_371, %parallel_loop3A_372, %parallel_loop3A_373, %parallel_loop3A_374] {strides = array<i32>} : memref<2x19x8x128xf32, #tpu.memory_space<vmem>>, vector<16xf32>,
        %parallel_loop3A_376 = arith.constant 1 : i32
        %parallel_loop3A_377 = arith.constant 13 : i32
        %parallel_loop3A_378 = arith.index_cast %parallel_loop3A_376 : i32 to index
        %parallel_loop3A_379 = arith.index_cast %parallel_loop3A_377 : i32 to index
        %parallel_loop3A_380 = arith.index_cast %parallel_loop3A_256 : i32 to index
        %parallel_loop3A_381 = arith.index_cast %parallel_loop3A_275 : i32 to index
        %parallel_loop3A_382 = tpu.vector_load %arg6[%parallel_loop3A_378, %parallel_loop3A_379, %parallel_loop3A_380, %parallel_loop3A_381] {strides = array<i32>} : memref<2x19x8x128xf32, #tpu.memory_space<vmem>>, vector<16xf32>,
        %parallel_loop3A_383 = arith.constant 1 : i32
        %parallel_loop3A_384 = arith.constant 14 : i32
        %parallel_loop3A_385 = arith.index_cast %parallel_loop3A_383 : i32 to index
        %parallel_loop3A_386 = arith.index_cast %parallel_loop3A_384 : i32 to index
        %parallel_loop3A_387 = arith.index_cast %parallel_loop3A_256 : i32 to index
        %parallel_loop3A_388 = arith.index_cast %parallel_loop3A_275 : i32 to index
        %parallel_loop3A_389 = tpu.vector_load %arg6[%parallel_loop3A_385, %parallel_loop3A_386, %parallel_loop3A_387, %parallel_loop3A_388] {strides = array<i32>} : memref<2x19x8x128xf32, #tpu.memory_space<vmem>>, vector<16xf32>,
        %parallel_loop3A_390 = arith.constant 1 : i32
        %parallel_loop3A_391 = arith.constant 15 : i32
        %parallel_loop3A_392 = arith.index_cast %parallel_loop3A_390 : i32 to index
        %parallel_loop3A_393 = arith.index_cast %parallel_loop3A_391 : i32 to index
        %parallel_loop3A_394 = arith.index_cast %parallel_loop3A_256 : i32 to index
        %parallel_loop3A_395 = arith.index_cast %parallel_loop3A_275 : i32 to index
        %parallel_loop3A_396 = tpu.vector_load %arg6[%parallel_loop3A_392, %parallel_loop3A_393, %parallel_loop3A_394, %parallel_loop3A_395] {strides = array<i32>} : memref<2x19x8x128xf32, #tpu.memory_space<vmem>>, vector<16xf32>,
        %parallel_loop3A_397 = arith.constant 1 : i32
        %parallel_loop3A_398 = arith.constant 16 : i32
        %parallel_loop3A_399 = arith.index_cast %parallel_loop3A_397 : i32 to index
        %parallel_loop3A_400 = arith.index_cast %parallel_loop3A_398 : i32 to index
        %parallel_loop3A_401 = arith.index_cast %parallel_loop3A_256 : i32 to index
        %parallel_loop3A_402 = arith.index_cast %parallel_loop3A_275 : i32 to index
        %parallel_loop3A_403 = tpu.vector_load %arg6[%parallel_loop3A_399, %parallel_loop3A_400, %parallel_loop3A_401, %parallel_loop3A_402] {strides = array<i32>} : memref<2x19x8x128xf32, #tpu.memory_space<vmem>>, vector<16xf32>,
        %parallel_loop3A_404 = arith.constant 1 : i32
        %parallel_loop3A_405 = arith.constant 17 : i32
        %parallel_loop3A_406 = arith.index_cast %parallel_loop3A_404 : i32 to index
        %parallel_loop3A_407 = arith.index_cast %parallel_loop3A_405 : i32 to index
        %parallel_loop3A_408 = arith.index_cast %parallel_loop3A_256 : i32 to index
        %parallel_loop3A_409 = arith.index_cast %parallel_loop3A_275 : i32 to index
        %parallel_loop3A_410 = tpu.vector_load %arg6[%parallel_loop3A_406, %parallel_loop3A_407, %parallel_loop3A_408, %parallel_loop3A_409] {strides = array<i32>} : memref<2x19x8x128xf32, #tpu.memory_space<vmem>>, vector<16xf32>,
        %parallel_loop3A_411 = arith.constant 1 : i32
        %parallel_loop3A_412 = arith.constant 18 : i32
        %parallel_loop3A_413 = arith.index_cast %parallel_loop3A_411 : i32 to index
        %parallel_loop3A_414 = arith.index_cast %parallel_loop3A_412 : i32 to index
        %parallel_loop3A_415 = arith.index_cast %parallel_loop3A_256 : i32 to index
        %parallel_loop3A_416 = arith.index_cast %parallel_loop3A_275 : i32 to index
        %parallel_loop3A_417 = tpu.vector_load %arg6[%parallel_loop3A_413, %parallel_loop3A_414, %parallel_loop3A_415, %parallel_loop3A_416] {strides = array<i32>} : memref<2x19x8x128xf32, #tpu.memory_space<vmem>>, vector<16xf32>,
        %parallel_loop3A_418 = arith.constant 304 : i32
        %parallel_loop3A_419 = vector.broadcast %parallel_loop3A_418 : i32 to vector<16xi32>
        %parallel_loop3A_420 = arith.addi %parallel_loop3A_284, %parallel_loop3A_419 : vector<16xi32>
        tpu.vector_store_idx %arg7[%parallel_loop3A_420], %broadcast_in_dim3A_38 {add = true} : memref<6144xf32, #tpu.memory_space<vmem>>[vector<16xi32>], vector<16xf32>,
        %parallel_loop3A_421 = arith.constant 0 : i32
        %parallel_loop3A_422 = vector.broadcast %parallel_loop3A_421 : i32 to vector<16xi32>
        %parallel_loop3A_423 = arith.addi %parallel_loop3A_284, %parallel_loop3A_422 : vector<16xi32>
        tpu.vector_store_idx %arg7[%parallel_loop3A_423], %parallel_loop3A_291 {add = true} : memref<6144xf32, #tpu.memory_space<vmem>>[vector<16xi32>], vector<16xf32>,
        %parallel_loop3A_424 = arith.constant 16 : i32
        %parallel_loop3A_425 = vector.broadcast %parallel_loop3A_424 : i32 to vector<16xi32>
        %parallel_loop3A_426 = arith.addi %parallel_loop3A_284, %parallel_loop3A_425 : vector<16xi32>
        tpu.vector_store_idx %arg7[%parallel_loop3A_426], %parallel_loop3A_298 {add = true} : memref<6144xf32, #tpu.memory_space<vmem>>[vector<16xi32>], vector<16xf32>,
        %parallel_loop3A_427 = arith.constant 32 : i32
        %parallel_loop3A_428 = vector.broadcast %parallel_loop3A_427 : i32 to vector<16xi32>
        %parallel_loop3A_429 = arith.addi %parallel_loop3A_284, %parallel_loop3A_428 : vector<16xi32>
        tpu.vector_store_idx %arg7[%parallel_loop3A_429], %parallel_loop3A_305 {add = true} : memref<6144xf32, #tpu.memory_space<vmem>>[vector<16xi32>], vector<16xf32>,
        %parallel_loop3A_430 = arith.constant 48 : i32
        %parallel_loop3A_431 = vector.broadcast %parallel_loop3A_430 : i32 to vector<16xi32>
        %parallel_loop3A_432 = arith.addi %parallel_loop3A_284, %parallel_loop3A_431 : vector<16xi32>
        tpu.vector_store_idx %arg7[%parallel_loop3A_432], %parallel_loop3A_312 {add = true} : memref<6144xf32, #tpu.memory_space<vmem>>[vector<16xi32>], vector<16xf32>,
        %parallel_loop3A_433 = arith.constant 64 : i32
        %parallel_loop3A_434 = vector.broadcast %parallel_loop3A_433 : i32 to vector<16xi32>
        %parallel_loop3A_435 = arith.addi %parallel_loop3A_284, %parallel_loop3A_434 : vector<16xi32>
        tpu.vector_store_idx %arg7[%parallel_loop3A_435], %parallel_loop3A_319 {add = true} : memref<6144xf32, #tpu.memory_space<vmem>>[vector<16xi32>], vector<16xf32>,
        %parallel_loop3A_436 = arith.constant 80 : i32
        %parallel_loop3A_437 = vector.broadcast %parallel_loop3A_436 : i32 to vector<16xi32>
        %parallel_loop3A_438 = arith.addi %parallel_loop3A_284, %parallel_loop3A_437 : vector<16xi32>
        tpu.vector_store_idx %arg7[%parallel_loop3A_438], %parallel_loop3A_326 {add = true} : memref<6144xf32, #tpu.memory_space<vmem>>[vector<16xi32>], vector<16xf32>,
        %parallel_loop3A_439 = arith.constant 96 : i32
        %parallel_loop3A_440 = vector.broadcast %parallel_loop3A_439 : i32 to vector<16xi32>
        %parallel_loop3A_441 = arith.addi %parallel_loop3A_284, %parallel_loop3A_440 : vector<16xi32>
        tpu.vector_store_idx %arg7[%parallel_loop3A_441], %parallel_loop3A_333 {add = true} : memref<6144xf32, #tpu.memory_space<vmem>>[vector<16xi32>], vector<16xf32>,
        %parallel_loop3A_442 = arith.constant 112 : i32
        %parallel_loop3A_443 = vector.broadcast %parallel_loop3A_442 : i32 to vector<16xi32>
        %parallel_loop3A_444 = arith.addi %parallel_loop3A_284, %parallel_loop3A_443 : vector<16xi32>
        tpu.vector_store_idx %arg7[%parallel_loop3A_444], %parallel_loop3A_340 {add = true} : memref<6144xf32, #tpu.memory_space<vmem>>[vector<16xi32>], vector<16xf32>,
        %parallel_loop3A_445 = arith.constant 128 : i32
        %parallel_loop3A_446 = vector.broadcast %parallel_loop3A_445 : i32 to vector<16xi32>
        %parallel_loop3A_447 = arith.addi %parallel_loop3A_284, %parallel_loop3A_446 : vector<16xi32>
        tpu.vector_store_idx %arg7[%parallel_loop3A_447], %parallel_loop3A_347 {add = true} : memref<6144xf32, #tpu.memory_space<vmem>>[vector<16xi32>], vector<16xf32>,
        %parallel_loop3A_448 = arith.constant 144 : i32
        %parallel_loop3A_449 = vector.broadcast %parallel_loop3A_448 : i32 to vector<16xi32>
        %parallel_loop3A_450 = arith.addi %parallel_loop3A_284, %parallel_loop3A_449 : vector<16xi32>
        tpu.vector_store_idx %arg7[%parallel_loop3A_450], %parallel_loop3A_354 {add = true} : memref<6144xf32, #tpu.memory_space<vmem>>[vector<16xi32>], vector<16xf32>,
        %parallel_loop3A_451 = arith.constant 160 : i32
        %parallel_loop3A_452 = vector.broadcast %parallel_loop3A_451 : i32 to vector<16xi32>
        %parallel_loop3A_453 = arith.addi %parallel_loop3A_284, %parallel_loop3A_452 : vector<16xi32>
        tpu.vector_store_idx %arg7[%parallel_loop3A_453], %parallel_loop3A_361 {add = true} : memref<6144xf32, #tpu.memory_space<vmem>>[vector<16xi32>], vector<16xf32>,
        %parallel_loop3A_454 = arith.constant 176 : i32
        %parallel_loop3A_455 = vector.broadcast %parallel_loop3A_454 : i32 to vector<16xi32>
        %parallel_loop3A_456 = arith.addi %parallel_loop3A_284, %parallel_loop3A_455 : vector<16xi32>
        tpu.vector_store_idx %arg7[%parallel_loop3A_456], %parallel_loop3A_368 {add = true} : memref<6144xf32, #tpu.memory_space<vmem>>[vector<16xi32>], vector<16xf32>,
        %parallel_loop3A_457 = arith.constant 192 : i32
        %parallel_loop3A_458 = vector.broadcast %parallel_loop3A_457 : i32 to vector<16xi32>
        %parallel_loop3A_459 = arith.addi %parallel_loop3A_284, %parallel_loop3A_458 : vector<16xi32>
        tpu.vector_store_idx %arg7[%parallel_loop3A_459], %parallel_loop3A_375 {add = true} : memref<6144xf32, #tpu.memory_space<vmem>>[vector<16xi32>], vector<16xf32>,
        %parallel_loop3A_460 = arith.constant 208 : i32
        %parallel_loop3A_461 = vector.broadcast %parallel_loop3A_460 : i32 to vector<16xi32>
        %parallel_loop3A_462 = arith.addi %parallel_loop3A_284, %parallel_loop3A_461 : vector<16xi32>
        tpu.vector_store_idx %arg7[%parallel_loop3A_462], %parallel_loop3A_382 {add = true} : memref<6144xf32, #tpu.memory_space<vmem>>[vector<16xi32>], vector<16xf32>,
        %parallel_loop3A_463 = arith.constant 224 : i32
        %parallel_loop3A_464 = vector.broadcast %parallel_loop3A_463 : i32 to vector<16xi32>
        %parallel_loop3A_465 = arith.addi %parallel_loop3A_284, %parallel_loop3A_464 : vector<16xi32>
        tpu.vector_store_idx %arg7[%parallel_loop3A_465], %parallel_loop3A_389 {add = true} : memref<6144xf32, #tpu.memory_space<vmem>>[vector<16xi32>], vector<16xf32>,
        %parallel_loop3A_466 = arith.constant 240 : i32
        %parallel_loop3A_467 = vector.broadcast %parallel_loop3A_466 : i32 to vector<16xi32>
        %parallel_loop3A_468 = arith.addi %parallel_loop3A_284, %parallel_loop3A_467 : vector<16xi32>
        tpu.vector_store_idx %arg7[%parallel_loop3A_468], %parallel_loop3A_396 {add = true} : memref<6144xf32, #tpu.memory_space<vmem>>[vector<16xi32>], vector<16xf32>,
        %parallel_loop3A_469 = arith.constant 256 : i32
        %parallel_loop3A_470 = vector.broadcast %parallel_loop3A_469 : i32 to vector<16xi32>
        %parallel_loop3A_471 = arith.addi %parallel_loop3A_284, %parallel_loop3A_470 : vector<16xi32>
        tpu.vector_store_idx %arg7[%parallel_loop3A_471], %parallel_loop3A_403 {add = true} : memref<6144xf32, #tpu.memory_space<vmem>>[vector<16xi32>], vector<16xf32>,
        %parallel_loop3A_472 = arith.constant 272 : i32
        %parallel_loop3A_473 = vector.broadcast %parallel_loop3A_472 : i32 to vector<16xi32>
        %parallel_loop3A_474 = arith.addi %parallel_loop3A_284, %parallel_loop3A_473 : vector<16xi32>
        tpu.vector_store_idx %arg7[%parallel_loop3A_474], %parallel_loop3A_410 {add = true} : memref<6144xf32, #tpu.memory_space<vmem>>[vector<16xi32>], vector<16xf32>,
        %parallel_loop3A_475 = arith.constant 288 : i32
        %parallel_loop3A_476 = vector.broadcast %parallel_loop3A_475 : i32 to vector<16xi32>
        %parallel_loop3A_477 = arith.addi %parallel_loop3A_284, %parallel_loop3A_476 : vector<16xi32>
        tpu.vector_store_idx %arg7[%parallel_loop3A_477], %parallel_loop3A_417 {add = true} : memref<6144xf32, #tpu.memory_space<vmem>>[vector<16xi32>], vector<16xf32>,
      } {sc.loop_unroll_factor = 2 : i64, sc.parallel_access}
      %add3A_225 = arith.constant 3 : i32
      %add3A_226 = arith.addi %mul3A_135, %add3A_225 : i32
      %lt3A_227 = arith.constant 30 : i32
      %lt3A_228 = arith.cmpi slt, %add3A_226, %lt3A_227 : i32
      %convert_element_type3A_229 = arith.extui %lt3A_228 : i1 to i32
      %cond3A_230 = arith.constant 0 : i32
      %cond3A_231 = arith.cmpi ne, %convert_element_type3A_229, %cond3A_230 : i32
      scf.if %cond3A_231 {
        %add3A_232 = arith.constant 3 : i32
        %add3A_233 = arith.addi %mul3A_135, %add3A_232 : i32
        %jit3A_234 = arith.constant 3 : i32
        %div3A_235 = arith.divsi %add3A_233, %jit3A_234 : i32
        %sign3A_236 = arith.constant 0 : i32
        %sign3A_237 = arith.cmpi sgt, %add3A_233, %sign3A_236 : i32
        %sign3A_238 = arith.extui %sign3A_237 : i1 to i32
        %sign3A_239 = arith.constant 0 : i32
        %sign3A_240 = arith.cmpi slt, %add3A_233, %sign3A_239 : i32
        %sign3A_241 = arith.extui %sign3A_240 : i1 to i32
        %sign3A_242 = arith.subi %sign3A_238, %sign3A_241 : i32
        %sign3A_243 = arith.constant 0 : i32
        %sign3A_244 = arith.cmpi sgt, %jit3A_234, %sign3A_243 : i32
        %sign3A_245 = arith.extui %sign3A_244 : i1 to i32
        %sign3A_246 = arith.constant 0 : i32
        %sign3A_247 = arith.cmpi slt, %jit3A_234, %sign3A_246 : i32
        %sign3A_248 = arith.extui %sign3A_247 : i1 to i32
        %sign3A_249 = arith.subi %sign3A_245, %sign3A_248 : i32
        %ne3A_250 = arith.cmpi ne, %sign3A_242, %sign3A_249 : i32
        %rem3A_251 = arith.remsi %add3A_233, %jit3A_234 : i32
        %ne3A_252 = arith.constant 0 : i32
        %ne3A_253 = arith.cmpi ne, %rem3A_251, %ne3A_252 : i32
        %and3A_254 = arith.andi %ne3A_250, %ne3A_253 : i1
        %sub3A_255 = arith.constant 1 : i32
        %sub3A_256 = arith.subi %div3A_235, %sub3A_255 : i32
        %select_n3A_257 = arith.select %and3A_254, %sub3A_256, %div3A_235 : i32
        %jit3A_258 = arith.constant 3 : i32
        %eq3A_259 = arith.constant 0 : i32
        %eq3A_260 = arith.cmpi eq, %jit3A_258, %eq3A_259 : i32
        %jit3A_261 = arith.constant 1 : i32
        %select_n3A_262 = arith.select %eq3A_260, %jit3A_261, %jit3A_258 : i32
        %rem3A_263 = arith.remsi %add3A_233, %select_n3A_262 : i32
        %ne3A_264 = arith.constant 0 : i32
        %ne3A_265 = arith.cmpi ne, %rem3A_263, %ne3A_264 : i32
        %lt3A_266 = arith.constant 0 : i32
        %lt3A_267 = arith.cmpi slt, %rem3A_263, %lt3A_266 : i32
        %lt3A_268 = arith.constant 0 : i32
        %lt3A_269 = arith.cmpi slt, %select_n3A_262, %lt3A_268 : i32
        %ne3A_270 = arith.xori %lt3A_267, %lt3A_269 : i1
        %and3A_271 = arith.andi %ne3A_270, %ne3A_265 : i1
        %add3A_272 = arith.addi %rem3A_263, %select_n3A_262 : i32
        %select_n3A_273 = arith.select %and3A_271, %add3A_272, %rem3A_263 : i32
        %mul3A_274 = arith.constant 80 : i32
        %mul3A_275 = arith.muli %select_n3A_30, %mul3A_274 : i32
        %add3A_276 = arith.constant 64 : i32
        %add3A_277 = arith.addi %add3A_276, %mul3A_275 : i32
        %mul3A_278 = arith.constant 8 : i32
        %mul3A_279 = arith.muli %select_n3A_257, %mul3A_278 : i32
        %add3A_280 = arith.addi %add3A_277, %mul3A_279 : i32
        %mul3A_281 = arith.constant 128 : i32
        %mul3A_282 = arith.muli %select_n3A_273, %mul3A_281 : i32
        %dma_start3A_283 = arith.constant 1 : i32
        %dma_start3A_284 = arith.constant 0 : i32
        %dma_start3A_285 = arith.constant 0 : i32
        %dma_start3A_286 = tpu.memref_slice %arg5[%dma_start3A_283, %dma_start3A_284, %dma_start3A_285] : memref<2x8x128xi32, #tpu.memory_space<vmem>> -> memref<1x8x128xi32, #tpu.memory_space<vmem>>
        %dma_start3A_287 = tpu.memref_squeeze %dma_start3A_286 : memref<1x8x128xi32, #tpu.memory_space<vmem>> -> memref<8x128xi32, #tpu.memory_space<vmem>>
        %dma_start3A_288 = tpu.memref_slice %arg2[%select_n3A, %add3A_280, %mul3A_282] : memref<8x384x384xi32, #tpu.memory_space<hbm>> -> memref<1x8x128xi32, #tpu.memory_space<hbm>>
        %dma_start3A_289 = tpu.memref_squeeze %dma_start3A_288 : memref<1x8x128xi32, #tpu.memory_space<hbm>> -> memref<8x128xi32, #tpu.memory_space<hbm>>
        %dma_start3A_290 = arith.constant 0 : i32
        %dma_start3A_291 = arith.constant 0 : i32
        %dma_start3A_292 = tpu.memref_slice %arg5[%dma_start3A_283, %dma_start3A_290, %dma_start3A_291] : memref<2x8x128xi32, #tpu.memory_space<vmem>> -> memref<1x8x128xi32, #tpu.memory_space<vmem>>
        %dma_start3A_293 = tpu.memref_squeeze %dma_start3A_292 : memref<1x8x128xi32, #tpu.memory_space<vmem>> -> memref<8x128xi32, #tpu.memory_space<vmem>>
        %dma_start3A_294 = tpu.memref_slice %arg2[%select_n3A, %add3A_280, %mul3A_282] : memref<8x384x384xi32, #tpu.memory_space<hbm>> -> memref<1x8x128xi32, #tpu.memory_space<hbm>>
        %dma_start3A_295 = tpu.memref_squeeze %dma_start3A_294 : memref<1x8x128xi32, #tpu.memory_space<hbm>> -> memref<8x128xi32, #tpu.memory_space<hbm>>
        tpu.enqueue_dma source(%dma_start3A_295 : memref<8x128xi32, #tpu.memory_space<hbm>>) target(%dma_start3A_293 : memref<8x128xi32, #tpu.memory_space<vmem>>) target_semaphore(%arg10 : memref<!tpu.dma_semaphore, #tpu.memory_space<semaphore_mem>>)
        %dma_start3A_296 = arith.constant 1 : i32
        %dma_start3A_297 = arith.constant 0 : i32
        %dma_start3A_298 = arith.constant 0 : i32
        %dma_start3A_299 = arith.constant 0 : i32
        %dma_start3A_300 = tpu.memref_slice %arg6[%dma_start3A_296, %dma_start3A_297, %dma_start3A_298, %dma_start3A_299] : memref<2x19x8x128xf32, #tpu.memory_space<vmem>> -> memref<1x19x8x128xf32, #tpu.memory_space<vmem>>
        %dma_start3A_301 = tpu.memref_squeeze %dma_start3A_300 : memref<1x19x8x128xf32, #tpu.memory_space<vmem>> -> memref<19x8x128xf32, #tpu.memory_space<vmem>>
        %dma_start3A_302 = arith.constant 0 : i32
        %dma_start3A_303 = tpu.memref_slice %arg3[%select_n3A, %dma_start3A_302, %add3A_280, %mul3A_282] : memref<8x19x384x384xf32, #tpu.memory_space<hbm>> -> memref<1x19x8x128xf32, #tpu.memory_space<hbm>>
        %dma_start3A_304 = tpu.memref_squeeze %dma_start3A_303 : memref<1x19x8x128xf32, #tpu.memory_space<hbm>> -> memref<19x8x128xf32, #tpu.memory_space<hbm>>
        %dma_start3A_305 = arith.constant 0 : i32
        %dma_start3A_306 = arith.constant 0 : i32
        %dma_start3A_307 = arith.constant 0 : i32
        %dma_start3A_308 = tpu.memref_slice %arg6[%dma_start3A_296, %dma_start3A_305, %dma_start3A_306, %dma_start3A_307] : memref<2x19x8x128xf32, #tpu.memory_space<vmem>> -> memref<1x19x8x128xf32, #tpu.memory_space<vmem>>
        %dma_start3A_309 = tpu.memref_squeeze %dma_start3A_308 : memref<1x19x8x128xf32, #tpu.memory_space<vmem>> -> memref<19x8x128xf32, #tpu.memory_space<vmem>>
        %dma_start3A_310 = arith.constant 0 : i32
        %dma_start3A_311 = tpu.memref_slice %arg3[%select_n3A, %dma_start3A_310, %add3A_280, %mul3A_282] : memref<8x19x384x384xf32, #tpu.memory_space<hbm>> -> memref<1x19x8x128xf32, #tpu.memory_space<hbm>>
        %dma_start3A_312 = tpu.memref_squeeze %dma_start3A_311 : memref<1x19x8x128xf32, #tpu.memory_space<hbm>> -> memref<19x8x128xf32, #tpu.memory_space<hbm>>
        tpu.enqueue_dma source(%dma_start3A_312 : memref<19x8x128xf32, #tpu.memory_space<hbm>>) target(%dma_start3A_309 : memref<19x8x128xf32, #tpu.memory_space<vmem>>) target_semaphore(%arg12 : memref<!tpu.dma_semaphore, #tpu.memory_space<semaphore_mem>>)
      } else {
      }
    }
    %scan3A_123 = arith.constant 15 : i32
    %mul3A_124 = arith.constant 16 : i32
    %mul3A_125 = vector.broadcast %mul3A_124 : i32 to vector<16xi32>
    %mul3A_126 = arith.muli %iota3A, %mul3A_125 : vector<16xi32>
    %scan3A_127 = arith.constant 0 : i32
    %scan3A_128 = arith.constant 0 : i32
    %scan3A_129 = arith.constant 24 : i32
    %scan3A_130 = arith.addi %scan3A_128, %scan3A_129 : i32
    %scan3A_131 = arith.constant 1 : i32
    scf.for %scan3A_133 = %scan3A_128 to %scan3A_130 step %scan3A_131  : i32 {
      %mul3A_134 = arith.constant 256 : i32
      %mul3A_135 = arith.muli %scan3A_133, %mul3A_134 : i32
      %broadcast_in_dim3A_136 = arith.constant 0.000000e+00 : f32
      %broadcast_in_dim3A_137 = vector.broadcast %broadcast_in_dim3A_136 : f32 to vector<16xf32>
      %add3A_138 = arith.constant 0 : i32
      %add3A_139 = arith.addi %mul3A_135, %add3A_138 : i32
      %add3A_140 = vector.broadcast %add3A_139 : i32 to vector<16xi32>
      %add3A_141 = arith.addi %mul3A_126, %add3A_140 : vector<16xi32>
      %gather3A = tpu.vector_load_idx %arg7[%add3A_141] : memref<6144xf32, #tpu.memory_space<vmem>>[vector<16xi32>], vector<16xf32>,
      %add3A_142 = arith.addf %broadcast_in_dim3A_137, %gather3A : vector<16xf32>
      %add3A_143 = arith.constant 1 : i32
      %add3A_144 = arith.addi %mul3A_135, %add3A_143 : i32
      %add3A_145 = vector.broadcast %add3A_144 : i32 to vector<16xi32>
      %add3A_146 = arith.addi %mul3A_126, %add3A_145 : vector<16xi32>
      %gather3A_147 = tpu.vector_load_idx %arg7[%add3A_146] : memref<6144xf32, #tpu.memory_space<vmem>>[vector<16xi32>], vector<16xf32>,
      %add3A_148 = arith.addf %add3A_142, %gather3A_147 : vector<16xf32>
      %add3A_149 = arith.constant 2 : i32
      %add3A_150 = arith.addi %mul3A_135, %add3A_149 : i32
      %add3A_151 = vector.broadcast %add3A_150 : i32 to vector<16xi32>
      %add3A_152 = arith.addi %mul3A_126, %add3A_151 : vector<16xi32>
      %gather3A_153 = tpu.vector_load_idx %arg7[%add3A_152] : memref<6144xf32, #tpu.memory_space<vmem>>[vector<16xi32>], vector<16xf32>,
      %add3A_154 = arith.addf %add3A_148, %gather3A_153 : vector<16xf32>
      %add3A_155 = arith.constant 3 : i32
      %add3A_156 = arith.addi %mul3A_135, %add3A_155 : i32
      %add3A_157 = vector.broadcast %add3A_156 : i32 to vector<16xi32>
      %add3A_158 = arith.addi %mul3A_126, %add3A_157 : vector<16xi32>
      %gather3A_159 = tpu.vector_load_idx %arg7[%add3A_158] : memref<6144xf32, #tpu.memory_space<vmem>>[vector<16xi32>], vector<16xf32>,
      %add3A_160 = arith.addf %add3A_154, %gather3A_159 : vector<16xf32>
      %add3A_161 = arith.constant 4 : i32
      %add3A_162 = arith.addi %mul3A_135, %add3A_161 : i32
      %add3A_163 = vector.broadcast %add3A_162 : i32 to vector<16xi32>
      %add3A_164 = arith.addi %mul3A_126, %add3A_163 : vector<16xi32>
      %gather3A_165 = tpu.vector_load_idx %arg7[%add3A_164] : memref<6144xf32, #tpu.memory_space<vmem>>[vector<16xi32>], vector<16xf32>,
      %add3A_166 = arith.addf %add3A_160, %gather3A_165 : vector<16xf32>
      %add3A_167 = arith.constant 5 : i32
      %add3A_168 = arith.addi %mul3A_135, %add3A_167 : i32
      %add3A_169 = vector.broadcast %add3A_168 : i32 to vector<16xi32>
      %add3A_170 = arith.addi %mul3A_126, %add3A_169 : vector<16xi32>
      %gather3A_171 = tpu.vector_load_idx %arg7[%add3A_170] : memref<6144xf32, #tpu.memory_space<vmem>>[vector<16xi32>], vector<16xf32>,
      %add3A_172 = arith.addf %add3A_166, %gather3A_171 : vector<16xf32>
      %add3A_173 = arith.constant 6 : i32
      %add3A_174 = arith.addi %mul3A_135, %add3A_173 : i32
      %add3A_175 = vector.broadcast %add3A_174 : i32 to vector<16xi32>
      %add3A_176 = arith.addi %mul3A_126, %add3A_175 : vector<16xi32>
      %gather3A_177 = tpu.vector_load_idx %arg7[%add3A_176] : memref<6144xf32, #tpu.memory_space<vmem>>[vector<16xi32>], vector<16xf32>,
      %add3A_178 = arith.addf %add3A_172, %gather3A_177 : vector<16xf32>
      %add3A_179 = arith.constant 7 : i32
      %add3A_180 = arith.addi %mul3A_135, %add3A_179 : i32
      %add3A_181 = vector.broadcast %add3A_180 : i32 to vector<16xi32>
      %add3A_182 = arith.addi %mul3A_126, %add3A_181 : vector<16xi32>
      %gather3A_183 = tpu.vector_load_idx %arg7[%add3A_182] : memref<6144xf32, #tpu.memory_space<vmem>>[vector<16xi32>], vector<16xf32>,
      %add3A_184 = arith.addf %add3A_178, %gather3A_183 : vector<16xf32>
      %add3A_185 = arith.constant 8 : i32
      %add3A_186 = arith.addi %mul3A_135, %add3A_185 : i32
      %add3A_187 = vector.broadcast %add3A_186 : i32 to vector<16xi32>
      %add3A_188 = arith.addi %mul3A_126, %add3A_187 : vector<16xi32>
      %gather3A_189 = tpu.vector_load_idx %arg7[%add3A_188] : memref<6144xf32, #tpu.memory_space<vmem>>[vector<16xi32>], vector<16xf32>,
      %add3A_190 = arith.addf %add3A_184, %gather3A_189 : vector<16xf32>
      %add3A_191 = arith.constant 9 : i32
      %add3A_192 = arith.addi %mul3A_135, %add3A_191 : i32
      %add3A_193 = vector.broadcast %add3A_192 : i32 to vector<16xi32>
      %add3A_194 = arith.addi %mul3A_126, %add3A_193 : vector<16xi32>
      %gather3A_195 = tpu.vector_load_idx %arg7[%add3A_194] : memref<6144xf32, #tpu.memory_space<vmem>>[vector<16xi32>], vector<16xf32>,
      %add3A_196 = arith.addf %add3A_190, %gather3A_195 : vector<16xf32>
      %add3A_197 = arith.constant 10 : i32
      %add3A_198 = arith.addi %mul3A_135, %add3A_197 : i32
      %add3A_199 = vector.broadcast %add3A_198 : i32 to vector<16xi32>
      %add3A_200 = arith.addi %mul3A_126, %add3A_199 : vector<16xi32>
      %gather3A_201 = tpu.vector_load_idx %arg7[%add3A_200] : memref<6144xf32, #tpu.memory_space<vmem>>[vector<16xi32>], vector<16xf32>,
      %add3A_202 = arith.addf %add3A_196, %gather3A_201 : vector<16xf32>
      %add3A_203 = arith.constant 11 : i32
      %add3A_204 = arith.addi %mul3A_135, %add3A_203 : i32
      %add3A_205 = vector.broadcast %add3A_204 : i32 to vector<16xi32>
      %add3A_206 = arith.addi %mul3A_126, %add3A_205 : vector<16xi32>
      %gather3A_207 = tpu.vector_load_idx %arg7[%add3A_206] : memref<6144xf32, #tpu.memory_space<vmem>>[vector<16xi32>], vector<16xf32>,
      %add3A_208 = arith.addf %add3A_202, %gather3A_207 : vector<16xf32>
      %add3A_209 = arith.constant 12 : i32
      %add3A_210 = arith.addi %mul3A_135, %add3A_209 : i32
      %add3A_211 = vector.broadcast %add3A_210 : i32 to vector<16xi32>
      %add3A_212 = arith.addi %mul3A_126, %add3A_211 : vector<16xi32>
      %gather3A_213 = tpu.vector_load_idx %arg7[%add3A_212] : memref<6144xf32, #tpu.memory_space<vmem>>[vector<16xi32>], vector<16xf32>,
      %add3A_214 = arith.addf %add3A_208, %gather3A_213 : vector<16xf32>
      %add3A_215 = arith.constant 13 : i32
      %add3A_216 = arith.addi %mul3A_135, %add3A_215 : i32
      %add3A_217 = vector.broadcast %add3A_216 : i32 to vector<16xi32>
      %add3A_218 = arith.addi %mul3A_126, %add3A_217 : vector<16xi32>
      %gather3A_219 = tpu.vector_load_idx %arg7[%add3A_218] : memref<6144xf32, #tpu.memory_space<vmem>>[vector<16xi32>], vector<16xf32>,
      %add3A_220 = arith.addf %add3A_214, %gather3A_219 : vector<16xf32>
      %add3A_221 = arith.constant 14 : i32
      %add3A_222 = arith.addi %mul3A_135, %add3A_221 : i32
      %add3A_223 = vector.broadcast %add3A_222 : i32 to vector<16xi32>
      %add3A_224 = arith.addi %mul3A_126, %add3A_223 : vector<16xi32>
      %gather3A_225 = tpu.vector_load_idx %arg7[%add3A_224] : memref<6144xf32, #tpu.memory_space<vmem>>[vector<16xi32>], vector<16xf32>,
      %add3A_226 = arith.addf %add3A_220, %gather3A_225 : vector<16xf32>
      %add3A_227 = arith.constant 15 : i32
      %add3A_228 = arith.addi %mul3A_135, %add3A_227 : i32
      %add3A_229 = vector.broadcast %add3A_228 : i32 to vector<16xi32>
      %add3A_230 = arith.addi %mul3A_126, %add3A_229 : vector<16xi32>
      %gather3A_231 = tpu.vector_load_idx %arg7[%add3A_230] : memref<6144xf32, #tpu.memory_space<vmem>>[vector<16xi32>], vector<16xf32>,
      %add3A_232 = arith.addf %add3A_226, %gather3A_231 : vector<16xf32>
      %mul3A_233 = arith.constant 16 : i32
      %mul3A_234 = arith.muli %scan3A_133, %mul3A_233 : i32
      %multiple_of3A = tpu.assume_multiple %mul3A_234, 16 : i32
      %swap3A = arith.index_cast %multiple_of3A : i32 to index
      %swap3A_235 = tpu.vector_load %arg8[%swap3A] {strides = array<i32>} : memref<384xf32, #tpu.memory_space<vmem>>, vector<16xf32>,
      tpu.vector_store %arg8[%swap3A], %add3A_232 {strides = array<i32>} : memref<384xf32, #tpu.memory_space<vmem>>, vector<16xf32>,
    }
    %scan3A_132 = arith.constant 24 : i32
    "tpu.region"() ({
      %run_scoped3A = tpu.sem_alloc : memref<!tpu.dma_semaphore, #tpu.memory_space<semaphore_mem>>
      %dma_start3A_133 = arith.constant 0 : i32
      %dma_start3A_134 = tpu.memref_slice %arg4[%add3A, %dma_start3A_133] : memref<32x384xf32, #tpu.memory_space<hbm>> -> memref<1x384xf32, #tpu.memory_space<hbm>>
      %dma_start3A_135 = tpu.memref_squeeze %dma_start3A_134 : memref<1x384xf32, #tpu.memory_space<hbm>> -> memref<384xf32, #tpu.memory_space<hbm>>
      %dma_start3A_136 = arith.constant 0 : i32
      %dma_start3A_137 = tpu.memref_slice %arg4[%add3A, %dma_start3A_136] : memref<32x384xf32, #tpu.memory_space<hbm>> -> memref<1x384xf32, #tpu.memory_space<hbm>>
      %dma_start3A_138 = tpu.memref_squeeze %dma_start3A_137 : memref<1x384xf32, #tpu.memory_space<hbm>> -> memref<384xf32, #tpu.memory_space<hbm>>
      tpu.enqueue_dma source(%arg8 : memref<384xf32, #tpu.memory_space<vmem>>) target(%dma_start3A_138 : memref<384xf32, #tpu.memory_space<hbm>>) target_semaphore(%run_scoped3A : memref<!tpu.dma_semaphore, #tpu.memory_space<semaphore_mem>>)
      %dma_wait3A = arith.constant 0 : i32
      %dma_wait3A_139 = tpu.memref_slice %arg4[%add3A, %dma_wait3A] : memref<32x384xf32, #tpu.memory_space<hbm>> -> memref<1x384xf32, #tpu.memory_space<hbm>>
      %dma_wait3A_140 = tpu.memref_squeeze %dma_wait3A_139 : memref<1x384xf32, #tpu.memory_space<hbm>> -> memref<384xf32, #tpu.memory_space<hbm>>
      %dma_wait3A_141 = arith.constant 0 : i32
      %dma_wait3A_142 = tpu.memref_slice %arg4[%add3A, %dma_wait3A_141] : memref<32x384xf32, #tpu.memory_space<hbm>> -> memref<1x384xf32, #tpu.memory_space<hbm>>
      %dma_wait3A_143 = tpu.memref_squeeze %dma_wait3A_142 : memref<1x384xf32, #tpu.memory_space<hbm>> -> memref<384xf32, #tpu.memory_space<hbm>>
      tpu.wait_dma2 semaphore(%run_scoped3A : memref<!tpu.dma_semaphore, #tpu.memory_space<semaphore_mem>>) src(%arg8 : memref<384xf32, #tpu.memory_space<vmem>>) dst(%dma_wait3A_143 : memref<384xf32, #tpu.memory_space<hbm>>)
      tpu.yield
    }) : () -> ()
    return
  }
}

module attributes {stable_mosaic.version = 14 : i64} {
  func.func @body(%arg0: i32, %arg1: i32, %arg2: memref<1x8x384xi32, #tpu.memory_space<vmem>>, %arg3: memref<1x19x8x384xf32, #tpu.memory_space<vmem>>, %arg4: memref<1x20x19xf32, #tpu.memory_space<vmem>>) attributes {dimension_semantics = [#tpu.dimension_semantics<arbitrary>, #tpu.dimension_semantics<arbitrary>], iteration_bounds = array<i64: 8, 8>, scalar_prefetch = 0 : i64, scratch_operands = 0 : i64, tpu.core_type = #tpu.core_type<tc>, window_params = [{transform_indices = @transform_0, window_bounds = array<i64: 1, 8, 384>}, {transform_indices = @transform_1, window_bounds = array<i64: 1, 19, 8, 384>}, {transform_indices = @transform_2, window_bounds = array<i64: 1, 20, 19>}]} {
    %eq3A = arith.constant 0 : i32
    %eq3A_0 = arith.cmpi eq, %arg1, %eq3A : i32
    %convert_element_type3A = arith.extui %eq3A_0 : i1 to i32
    %cond3A = arith.constant 0 : i32
    %cond3A_1 = arith.cmpi ne, %convert_element_type3A, %cond3A : i32
    scf.if %cond3A_1 {
      %broadcast_in_dim3A_156 = arith.constant 0.000000e+00 : f32
      %broadcast_in_dim3A_157 = vector.broadcast %broadcast_in_dim3A_156 : f32 to vector<1x20x19xf32>
      %swap3A_158 = arith.constant 0 : index
      %swap3A_159 = arith.constant 0 : index
      %swap3A_160 = arith.constant 0 : index
      %swap3A_161 = vector.load %arg4[%swap3A_158, %swap3A_159, %swap3A_160] : memref<1x20x19xf32, #tpu.memory_space<vmem>>, vector<1x20x19xf32>
      tpu.vector_store %arg4[%swap3A_158, %swap3A_159, %swap3A_160], %broadcast_in_dim3A_157 {strides = array<i32>} : memref<1x20x19xf32, #tpu.memory_space<vmem>>, vector<1x20x19xf32>,
    } else {
    }
    %get3A = arith.constant 0 : index
    %get3A_2 = arith.constant 0 : index
    %get3A_3 = arith.constant 0 : index
    %get3A_4 = vector.load %arg2[%get3A, %get3A_2, %get3A_3] : memref<1x8x384xi32, #tpu.memory_space<vmem>>, vector<1x8x384xi32>
    %get3A_5 = vector.shape_cast %get3A_4 : vector<1x8x384xi32> to vector<8x384xi32>
    %get3A_6 = arith.constant 0 : index
    %get3A_7 = arith.constant 0 : index
    %get3A_8 = arith.constant 0 : index
    %get3A_9 = arith.constant 0 : index
    %get3A_10 = vector.load %arg3[%get3A_6, %get3A_7, %get3A_8, %get3A_9] : memref<1x19x8x384xf32, #tpu.memory_space<vmem>>, vector<1x19x8x384xf32>
    %get3A_11 = vector.shape_cast %get3A_10 : vector<1x19x8x384xf32> to vector<19x8x384xf32>
    %iota3A = tpu.iota {dimensions = array<i32: 0>} : vector<19x384xi32>
    %broadcast_in_dim3A = arith.constant 1.000000e+00 : f32
    %broadcast_in_dim3A_12 = vector.broadcast %broadcast_in_dim3A : f32 to vector<1x384xf32>
    %broadcast_in_dim3A_13 = arith.constant 0.000000e+00 : f32
    %broadcast_in_dim3A_14 = vector.broadcast %broadcast_in_dim3A_13 : f32 to vector<19x19xf32>
    %broadcast_in_dim3A_15 = arith.constant 0.000000e+00 : f32
    %broadcast_in_dim3A_16 = vector.broadcast %broadcast_in_dim3A_15 : f32 to vector<1x19xf32>
    %slice3A = vector.extract_strided_slice %get3A_5 {offsets = [0, 0], sizes = [1, 384], strides = [1, 1]} : vector<8x384xi32> to vector<1x384xi32>
    %squeeze3A = vector.shape_cast %slice3A : vector<1x384xi32> to vector<384xi32>
    %broadcast_in_dim3A_17 = vector.shape_cast %squeeze3A : vector<384xi32> to vector<1x384xi32>
    %eq3A_18 = vector.broadcast %broadcast_in_dim3A_17 : vector<1x384xi32> to vector<19x384xi32>
    %eq3A_19 = arith.cmpi eq, %eq3A_18, %iota3A : vector<19x384xi32>
    %convert_element_type3A_20 = arith.extui %eq3A_19 : vector<19x384xi1> to vector<19x384xi32>
    %convert_element_type3A_21 = arith.sitofp %convert_element_type3A_20 : vector<19x384xi32> to vector<19x384xf32>
    %slice3A_22 = vector.extract_strided_slice %get3A_11 {offsets = [0, 0, 0], sizes = [19, 1, 384], strides = [1, 1, 1]} : vector<19x8x384xf32> to vector<19x1x384xf32>
    %squeeze3A_23 = vector.shape_cast %slice3A_22 : vector<19x1x384xf32> to vector<19x384xf32>
    %dot_general3A = arith.constant dense<0.000000e+00> : vector<19x19xf32>
    %dot_general3A_24 = tpu.matmul %squeeze3A_23, %convert_element_type3A_21, %dot_general3A {dimension_numbers = #tpu.dot_dimension_numbers<[1], [1], [0], [0], [0, 0, 1, 0], [], []>, transpose_lhs_hint = false} : vector<19x384xf32>, vector<19x384xf32>, vector<19x19xf32> -> vector<19x19xf32>
    %add3A = arith.addf %broadcast_in_dim3A_14, %dot_general3A_24 : vector<19x19xf32>
    %dot_general3A_25 = arith.constant dense<0.000000e+00> : vector<1x19xf32>
    %dot_general3A_26 = tpu.matmul %broadcast_in_dim3A_12, %convert_element_type3A_21, %dot_general3A_25 {dimension_numbers = #tpu.dot_dimension_numbers<[1], [1], [0], [0], [0, 0, 1, 0], [], []>, transpose_lhs_hint = false} : vector<1x384xf32>, vector<19x384xf32>, vector<1x19xf32> -> vector<1x19xf32>
    %add3A_27 = arith.addf %broadcast_in_dim3A_16, %dot_general3A_26 : vector<1x19xf32>
    %slice3A_28 = vector.extract_strided_slice %get3A_5 {offsets = [1, 0], sizes = [1, 384], strides = [1, 1]} : vector<8x384xi32> to vector<1x384xi32>
    %squeeze3A_29 = vector.shape_cast %slice3A_28 : vector<1x384xi32> to vector<384xi32>
    %broadcast_in_dim3A_30 = vector.shape_cast %squeeze3A_29 : vector<384xi32> to vector<1x384xi32>
    %eq3A_31 = vector.broadcast %broadcast_in_dim3A_30 : vector<1x384xi32> to vector<19x384xi32>
    %eq3A_32 = arith.cmpi eq, %eq3A_31, %iota3A : vector<19x384xi32>
    %convert_element_type3A_33 = arith.extui %eq3A_32 : vector<19x384xi1> to vector<19x384xi32>
    %convert_element_type3A_34 = arith.sitofp %convert_element_type3A_33 : vector<19x384xi32> to vector<19x384xf32>
    %slice3A_35 = vector.extract_strided_slice %get3A_11 {offsets = [0, 1, 0], sizes = [19, 1, 384], strides = [1, 1, 1]} : vector<19x8x384xf32> to vector<19x1x384xf32>
    %squeeze3A_36 = vector.shape_cast %slice3A_35 : vector<19x1x384xf32> to vector<19x384xf32>
    %dot_general3A_37 = arith.constant dense<0.000000e+00> : vector<19x19xf32>
    %dot_general3A_38 = tpu.matmul %squeeze3A_36, %convert_element_type3A_34, %dot_general3A_37 {dimension_numbers = #tpu.dot_dimension_numbers<[1], [1], [0], [0], [0, 0, 1, 0], [], []>, transpose_lhs_hint = false} : vector<19x384xf32>, vector<19x384xf32>, vector<19x19xf32> -> vector<19x19xf32>
    %add3A_39 = arith.addf %add3A, %dot_general3A_38 : vector<19x19xf32>
    %dot_general3A_40 = arith.constant dense<0.000000e+00> : vector<1x19xf32>
    %dot_general3A_41 = tpu.matmul %broadcast_in_dim3A_12, %convert_element_type3A_34, %dot_general3A_40 {dimension_numbers = #tpu.dot_dimension_numbers<[1], [1], [0], [0], [0, 0, 1, 0], [], []>, transpose_lhs_hint = false} : vector<1x384xf32>, vector<19x384xf32>, vector<1x19xf32> -> vector<1x19xf32>
    %add3A_42 = arith.addf %add3A_27, %dot_general3A_41 : vector<1x19xf32>
    %slice3A_43 = vector.extract_strided_slice %get3A_5 {offsets = [2, 0], sizes = [1, 384], strides = [1, 1]} : vector<8x384xi32> to vector<1x384xi32>
    %squeeze3A_44 = vector.shape_cast %slice3A_43 : vector<1x384xi32> to vector<384xi32>
    %broadcast_in_dim3A_45 = vector.shape_cast %squeeze3A_44 : vector<384xi32> to vector<1x384xi32>
    %eq3A_46 = vector.broadcast %broadcast_in_dim3A_45 : vector<1x384xi32> to vector<19x384xi32>
    %eq3A_47 = arith.cmpi eq, %eq3A_46, %iota3A : vector<19x384xi32>
    %convert_element_type3A_48 = arith.extui %eq3A_47 : vector<19x384xi1> to vector<19x384xi32>
    %convert_element_type3A_49 = arith.sitofp %convert_element_type3A_48 : vector<19x384xi32> to vector<19x384xf32>
    %slice3A_50 = vector.extract_strided_slice %get3A_11 {offsets = [0, 2, 0], sizes = [19, 1, 384], strides = [1, 1, 1]} : vector<19x8x384xf32> to vector<19x1x384xf32>
    %squeeze3A_51 = vector.shape_cast %slice3A_50 : vector<19x1x384xf32> to vector<19x384xf32>
    %dot_general3A_52 = arith.constant dense<0.000000e+00> : vector<19x19xf32>
    %dot_general3A_53 = tpu.matmul %squeeze3A_51, %convert_element_type3A_49, %dot_general3A_52 {dimension_numbers = #tpu.dot_dimension_numbers<[1], [1], [0], [0], [0, 0, 1, 0], [], []>, transpose_lhs_hint = false} : vector<19x384xf32>, vector<19x384xf32>, vector<19x19xf32> -> vector<19x19xf32>
    %add3A_54 = arith.addf %add3A_39, %dot_general3A_53 : vector<19x19xf32>
    %dot_general3A_55 = arith.constant dense<0.000000e+00> : vector<1x19xf32>
    %dot_general3A_56 = tpu.matmul %broadcast_in_dim3A_12, %convert_element_type3A_49, %dot_general3A_55 {dimension_numbers = #tpu.dot_dimension_numbers<[1], [1], [0], [0], [0, 0, 1, 0], [], []>, transpose_lhs_hint = false} : vector<1x384xf32>, vector<19x384xf32>, vector<1x19xf32> -> vector<1x19xf32>
    %add3A_57 = arith.addf %add3A_42, %dot_general3A_56 : vector<1x19xf32>
    %slice3A_58 = vector.extract_strided_slice %get3A_5 {offsets = [3, 0], sizes = [1, 384], strides = [1, 1]} : vector<8x384xi32> to vector<1x384xi32>
    %squeeze3A_59 = vector.shape_cast %slice3A_58 : vector<1x384xi32> to vector<384xi32>
    %broadcast_in_dim3A_60 = vector.shape_cast %squeeze3A_59 : vector<384xi32> to vector<1x384xi32>
    %eq3A_61 = vector.broadcast %broadcast_in_dim3A_60 : vector<1x384xi32> to vector<19x384xi32>
    %eq3A_62 = arith.cmpi eq, %eq3A_61, %iota3A : vector<19x384xi32>
    %convert_element_type3A_63 = arith.extui %eq3A_62 : vector<19x384xi1> to vector<19x384xi32>
    %convert_element_type3A_64 = arith.sitofp %convert_element_type3A_63 : vector<19x384xi32> to vector<19x384xf32>
    %slice3A_65 = vector.extract_strided_slice %get3A_11 {offsets = [0, 3, 0], sizes = [19, 1, 384], strides = [1, 1, 1]} : vector<19x8x384xf32> to vector<19x1x384xf32>
    %squeeze3A_66 = vector.shape_cast %slice3A_65 : vector<19x1x384xf32> to vector<19x384xf32>
    %dot_general3A_67 = arith.constant dense<0.000000e+00> : vector<19x19xf32>
    %dot_general3A_68 = tpu.matmul %squeeze3A_66, %convert_element_type3A_64, %dot_general3A_67 {dimension_numbers = #tpu.dot_dimension_numbers<[1], [1], [0], [0], [0, 0, 1, 0], [], []>, transpose_lhs_hint = false} : vector<19x384xf32>, vector<19x384xf32>, vector<19x19xf32> -> vector<19x19xf32>
    %add3A_69 = arith.addf %add3A_54, %dot_general3A_68 : vector<19x19xf32>
    %dot_general3A_70 = arith.constant dense<0.000000e+00> : vector<1x19xf32>
    %dot_general3A_71 = tpu.matmul %broadcast_in_dim3A_12, %convert_element_type3A_64, %dot_general3A_70 {dimension_numbers = #tpu.dot_dimension_numbers<[1], [1], [0], [0], [0, 0, 1, 0], [], []>, transpose_lhs_hint = false} : vector<1x384xf32>, vector<19x384xf32>, vector<1x19xf32> -> vector<1x19xf32>
    %add3A_72 = arith.addf %add3A_57, %dot_general3A_71 : vector<1x19xf32>
    %slice3A_73 = vector.extract_strided_slice %get3A_5 {offsets = [4, 0], sizes = [1, 384], strides = [1, 1]} : vector<8x384xi32> to vector<1x384xi32>
    %squeeze3A_74 = vector.shape_cast %slice3A_73 : vector<1x384xi32> to vector<384xi32>
    %broadcast_in_dim3A_75 = vector.shape_cast %squeeze3A_74 : vector<384xi32> to vector<1x384xi32>
    %eq3A_76 = vector.broadcast %broadcast_in_dim3A_75 : vector<1x384xi32> to vector<19x384xi32>
    %eq3A_77 = arith.cmpi eq, %eq3A_76, %iota3A : vector<19x384xi32>
    %convert_element_type3A_78 = arith.extui %eq3A_77 : vector<19x384xi1> to vector<19x384xi32>
    %convert_element_type3A_79 = arith.sitofp %convert_element_type3A_78 : vector<19x384xi32> to vector<19x384xf32>
    %slice3A_80 = vector.extract_strided_slice %get3A_11 {offsets = [0, 4, 0], sizes = [19, 1, 384], strides = [1, 1, 1]} : vector<19x8x384xf32> to vector<19x1x384xf32>
    %squeeze3A_81 = vector.shape_cast %slice3A_80 : vector<19x1x384xf32> to vector<19x384xf32>
    %dot_general3A_82 = arith.constant dense<0.000000e+00> : vector<19x19xf32>
    %dot_general3A_83 = tpu.matmul %squeeze3A_81, %convert_element_type3A_79, %dot_general3A_82 {dimension_numbers = #tpu.dot_dimension_numbers<[1], [1], [0], [0], [0, 0, 1, 0], [], []>, transpose_lhs_hint = false} : vector<19x384xf32>, vector<19x384xf32>, vector<19x19xf32> -> vector<19x19xf32>
    %add3A_84 = arith.addf %add3A_69, %dot_general3A_83 : vector<19x19xf32>
    %dot_general3A_85 = arith.constant dense<0.000000e+00> : vector<1x19xf32>
    %dot_general3A_86 = tpu.matmul %broadcast_in_dim3A_12, %convert_element_type3A_79, %dot_general3A_85 {dimension_numbers = #tpu.dot_dimension_numbers<[1], [1], [0], [0], [0, 0, 1, 0], [], []>, transpose_lhs_hint = false} : vector<1x384xf32>, vector<19x384xf32>, vector<1x19xf32> -> vector<1x19xf32>
    %add3A_87 = arith.addf %add3A_72, %dot_general3A_86 : vector<1x19xf32>
    %slice3A_88 = vector.extract_strided_slice %get3A_5 {offsets = [5, 0], sizes = [1, 384], strides = [1, 1]} : vector<8x384xi32> to vector<1x384xi32>
    %squeeze3A_89 = vector.shape_cast %slice3A_88 : vector<1x384xi32> to vector<384xi32>
    %broadcast_in_dim3A_90 = vector.shape_cast %squeeze3A_89 : vector<384xi32> to vector<1x384xi32>
    %eq3A_91 = vector.broadcast %broadcast_in_dim3A_90 : vector<1x384xi32> to vector<19x384xi32>
    %eq3A_92 = arith.cmpi eq, %eq3A_91, %iota3A : vector<19x384xi32>
    %convert_element_type3A_93 = arith.extui %eq3A_92 : vector<19x384xi1> to vector<19x384xi32>
    %convert_element_type3A_94 = arith.sitofp %convert_element_type3A_93 : vector<19x384xi32> to vector<19x384xf32>
    %slice3A_95 = vector.extract_strided_slice %get3A_11 {offsets = [0, 5, 0], sizes = [19, 1, 384], strides = [1, 1, 1]} : vector<19x8x384xf32> to vector<19x1x384xf32>
    %squeeze3A_96 = vector.shape_cast %slice3A_95 : vector<19x1x384xf32> to vector<19x384xf32>
    %dot_general3A_97 = arith.constant dense<0.000000e+00> : vector<19x19xf32>
    %dot_general3A_98 = tpu.matmul %squeeze3A_96, %convert_element_type3A_94, %dot_general3A_97 {dimension_numbers = #tpu.dot_dimension_numbers<[1], [1], [0], [0], [0, 0, 1, 0], [], []>, transpose_lhs_hint = false} : vector<19x384xf32>, vector<19x384xf32>, vector<19x19xf32> -> vector<19x19xf32>
    %add3A_99 = arith.addf %add3A_84, %dot_general3A_98 : vector<19x19xf32>
    %dot_general3A_100 = arith.constant dense<0.000000e+00> : vector<1x19xf32>
    %dot_general3A_101 = tpu.matmul %broadcast_in_dim3A_12, %convert_element_type3A_94, %dot_general3A_100 {dimension_numbers = #tpu.dot_dimension_numbers<[1], [1], [0], [0], [0, 0, 1, 0], [], []>, transpose_lhs_hint = false} : vector<1x384xf32>, vector<19x384xf32>, vector<1x19xf32> -> vector<1x19xf32>
    %add3A_102 = arith.addf %add3A_87, %dot_general3A_101 : vector<1x19xf32>
    %slice3A_103 = vector.extract_strided_slice %get3A_5 {offsets = [6, 0], sizes = [1, 384], strides = [1, 1]} : vector<8x384xi32> to vector<1x384xi32>
    %squeeze3A_104 = vector.shape_cast %slice3A_103 : vector<1x384xi32> to vector<384xi32>
    %broadcast_in_dim3A_105 = vector.shape_cast %squeeze3A_104 : vector<384xi32> to vector<1x384xi32>
    %eq3A_106 = vector.broadcast %broadcast_in_dim3A_105 : vector<1x384xi32> to vector<19x384xi32>
    %eq3A_107 = arith.cmpi eq, %eq3A_106, %iota3A : vector<19x384xi32>
    %convert_element_type3A_108 = arith.extui %eq3A_107 : vector<19x384xi1> to vector<19x384xi32>
    %convert_element_type3A_109 = arith.sitofp %convert_element_type3A_108 : vector<19x384xi32> to vector<19x384xf32>
    %slice3A_110 = vector.extract_strided_slice %get3A_11 {offsets = [0, 6, 0], sizes = [19, 1, 384], strides = [1, 1, 1]} : vector<19x8x384xf32> to vector<19x1x384xf32>
    %squeeze3A_111 = vector.shape_cast %slice3A_110 : vector<19x1x384xf32> to vector<19x384xf32>
    %dot_general3A_112 = arith.constant dense<0.000000e+00> : vector<19x19xf32>
    %dot_general3A_113 = tpu.matmul %squeeze3A_111, %convert_element_type3A_109, %dot_general3A_112 {dimension_numbers = #tpu.dot_dimension_numbers<[1], [1], [0], [0], [0, 0, 1, 0], [], []>, transpose_lhs_hint = false} : vector<19x384xf32>, vector<19x384xf32>, vector<19x19xf32> -> vector<19x19xf32>
    %add3A_114 = arith.addf %add3A_99, %dot_general3A_113 : vector<19x19xf32>
    %dot_general3A_115 = arith.constant dense<0.000000e+00> : vector<1x19xf32>
    %dot_general3A_116 = tpu.matmul %broadcast_in_dim3A_12, %convert_element_type3A_109, %dot_general3A_115 {dimension_numbers = #tpu.dot_dimension_numbers<[1], [1], [0], [0], [0, 0, 1, 0], [], []>, transpose_lhs_hint = false} : vector<1x384xf32>, vector<19x384xf32>, vector<1x19xf32> -> vector<1x19xf32>
    %add3A_117 = arith.addf %add3A_102, %dot_general3A_116 : vector<1x19xf32>
    %slice3A_118 = vector.extract_strided_slice %get3A_5 {offsets = [7, 0], sizes = [1, 384], strides = [1, 1]} : vector<8x384xi32> to vector<1x384xi32>
    %squeeze3A_119 = vector.shape_cast %slice3A_118 : vector<1x384xi32> to vector<384xi32>
    %broadcast_in_dim3A_120 = vector.shape_cast %squeeze3A_119 : vector<384xi32> to vector<1x384xi32>
    %eq3A_121 = vector.broadcast %broadcast_in_dim3A_120 : vector<1x384xi32> to vector<19x384xi32>
    %eq3A_122 = arith.cmpi eq, %eq3A_121, %iota3A : vector<19x384xi32>
    %convert_element_type3A_123 = arith.extui %eq3A_122 : vector<19x384xi1> to vector<19x384xi32>
    %convert_element_type3A_124 = arith.sitofp %convert_element_type3A_123 : vector<19x384xi32> to vector<19x384xf32>
    %slice3A_125 = vector.extract_strided_slice %get3A_11 {offsets = [0, 7, 0], sizes = [19, 1, 384], strides = [1, 1, 1]} : vector<19x8x384xf32> to vector<19x1x384xf32>
    %squeeze3A_126 = vector.shape_cast %slice3A_125 : vector<19x1x384xf32> to vector<19x384xf32>
    %dot_general3A_127 = arith.constant dense<0.000000e+00> : vector<19x19xf32>
    %dot_general3A_128 = tpu.matmul %squeeze3A_126, %convert_element_type3A_124, %dot_general3A_127 {dimension_numbers = #tpu.dot_dimension_numbers<[1], [1], [0], [0], [0, 0, 1, 0], [], []>, transpose_lhs_hint = false} : vector<19x384xf32>, vector<19x384xf32>, vector<19x19xf32> -> vector<19x19xf32>
    %add3A_129 = arith.addf %add3A_114, %dot_general3A_128 : vector<19x19xf32>
    %dot_general3A_130 = arith.constant dense<0.000000e+00> : vector<1x19xf32>
    %dot_general3A_131 = tpu.matmul %broadcast_in_dim3A_12, %convert_element_type3A_124, %dot_general3A_130 {dimension_numbers = #tpu.dot_dimension_numbers<[1], [1], [0], [0], [0, 0, 1, 0], [], []>, transpose_lhs_hint = false} : vector<1x384xf32>, vector<19x384xf32>, vector<1x19xf32> -> vector<1x19xf32>
    %add3A_132 = arith.addf %add3A_117, %dot_general3A_131 : vector<1x19xf32>
    %get3A_133 = arith.constant 0 : index
    %get3A_134 = arith.constant 0 : index
    %get3A_135 = arith.constant 0 : index
    %get3A_136 = vector.load %arg4[%get3A_133, %get3A_134, %get3A_135] : memref<1x20x19xf32, #tpu.memory_space<vmem>>, vector<1x19x19xf32>
    %get3A_137 = vector.shape_cast %get3A_136 : vector<1x19x19xf32> to vector<19x19xf32>
    %add3A_138 = arith.addf %get3A_137, %add3A_129 : vector<19x19xf32>
    %swap3A = arith.constant 0 : index
    %swap3A_139 = arith.constant 0 : index
    %swap3A_140 = arith.constant 0 : index
    %swap3A_141 = vector.load %arg4[%swap3A, %swap3A_139, %swap3A_140] : memref<1x20x19xf32, #tpu.memory_space<vmem>>, vector<1x19x19xf32>
    %swap3A_142 = vector.shape_cast %swap3A_141 : vector<1x19x19xf32> to vector<19x19xf32>
    %swap3A_143 = vector.shape_cast %add3A_138 : vector<19x19xf32> to vector<1x19x19xf32>
    tpu.vector_store %arg4[%swap3A, %swap3A_139, %swap3A_140], %swap3A_143 {strides = array<i32>} : memref<1x20x19xf32, #tpu.memory_space<vmem>>, vector<1x19x19xf32>,
    %get3A_144 = arith.constant 0 : index
    %get3A_145 = arith.constant 19 : index
    %get3A_146 = arith.constant 0 : index
    %get3A_147 = vector.load %arg4[%get3A_144, %get3A_145, %get3A_146] : memref<1x20x19xf32, #tpu.memory_space<vmem>>, vector<1x1x19xf32>
    %get3A_148 = vector.shape_cast %get3A_147 : vector<1x1x19xf32> to vector<1x19xf32>
    %add3A_149 = arith.addf %get3A_148, %add3A_132 : vector<1x19xf32>
    %swap3A_150 = arith.constant 0 : index
    %swap3A_151 = arith.constant 19 : index
    %swap3A_152 = arith.constant 0 : index
    %swap3A_153 = vector.load %arg4[%swap3A_150, %swap3A_151, %swap3A_152] : memref<1x20x19xf32, #tpu.memory_space<vmem>>, vector<1x1x19xf32>
    %swap3A_154 = vector.shape_cast %swap3A_153 : vector<1x1x19xf32> to vector<1x19xf32>
    %swap3A_155 = vector.shape_cast %add3A_149 : vector<1x19xf32> to vector<1x1x19xf32>
    tpu.vector_store %arg4[%swap3A_150, %swap3A_151, %swap3A_152], %swap3A_155 {strides = array<i32>} : memref<1x20x19xf32, #tpu.memory_space<vmem>>, vector<1x1x19xf32>,
    return
  }
  func.func @transform_0(%arg0: i32, %arg1: i32) -> (i32, i32, i32) {
    %c0_i32 = arith.constant 0 : i32
    %c0_i32_0 = arith.constant 0 : i32
    return %arg0, %arg1, %c0_i32 : i32, i32, i32
  }
  func.func @transform_1(%arg0: i32, %arg1: i32) -> (i32, i32, i32, i32) {
    %c0_i32 = arith.constant 0 : i32
    %c0_i32_0 = arith.constant 0 : i32
    %c0_i32_1 = arith.constant 0 : i32
    return %arg0, %c0_i32, %arg1, %c0_i32_0 : i32, i32, i32, i32
  }
  func.func @transform_2(%arg0: i32, %arg1: i32) -> (i32, i32, i32) {
    %c0_i32 = arith.constant 0 : i32
    %c0_i32_0 = arith.constant 0 : i32
    %c0_i32_1 = arith.constant 0 : i32
    return %arg0, %c0_i32, %c0_i32_0 : i32, i32, i32
  }
}

module attributes {stable_mosaic.version = 14 : i64} {
  func.func @_finalize_body(%arg0: memref<32x384xf32, #tpu.memory_space<vmem>>, %arg1: memref<8x20x19xf32, #tpu.memory_space<vmem>>, %arg2: memref<1x1xf32, #tpu.memory_space<vmem>>) attributes {dimension_semantics = [], scalar_prefetch = 0 : i64, scratch_operands = 0 : i64, tpu.core_type = #tpu.core_type<tc>} {
    %get3A = arith.constant 0 : index
    %get3A_0 = arith.constant 0 : index
    %get3A_1 = vector.load %arg0[%get3A, %get3A_0] : memref<32x384xf32, #tpu.memory_space<vmem>>, vector<32x384xf32>
    %slice3A = vector.extract_strided_slice %get3A_1 {offsets = [0, 0], sizes = [32, 380], strides = [1, 1]} : vector<32x384xf32> to vector<32x380xf32>
    %reshape3A = vector.shape_cast %slice3A : vector<32x380xf32> to vector<8x4x19x20xf32>
    %reduce_sum3A = arith.constant dense<0.000000e+00> : vector<8x19x20xf32>
    %reduce_sum3A_2 = vector.multi_reduction <add>, %reshape3A, %reduce_sum3A [1] : vector<8x4x19x20xf32> to vector<8x19x20xf32>
    %get3A_3 = arith.constant 0 : index
    %get3A_4 = arith.constant 0 : index
    %get3A_5 = arith.constant 0 : index
    %get3A_6 = vector.load %arg1[%get3A_3, %get3A_4, %get3A_5] : memref<8x20x19xf32, #tpu.memory_space<vmem>>, vector<8x20x19xf32>
    %slice3A_7 = vector.extract_strided_slice %reduce_sum3A_2 {offsets = [0, 0, 0], sizes = [8, 19, 19], strides = [1, 1, 1]} : vector<8x19x20xf32> to vector<8x19x19xf32>
    %slice3A_8 = vector.extract_strided_slice %get3A_6 {offsets = [0, 0, 0], sizes = [8, 19, 19], strides = [1, 1, 1]} : vector<8x20x19xf32> to vector<8x19x19xf32>
    %transpose3A = tpu.transpose %slice3A_8, [0, 2, 1] : vector<8x19x19xf32> -> vector<8x19x19xf32>
    %add3A = arith.addf %slice3A_7, %transpose3A : vector<8x19x19xf32>
    %slice3A_9 = vector.extract_strided_slice %reduce_sum3A_2 {offsets = [0, 0, 19], sizes = [8, 19, 1], strides = [1, 1, 1]} : vector<8x19x20xf32> to vector<8x19x1xf32>
    %squeeze3A = vector.shape_cast %slice3A_9 : vector<8x19x1xf32> to vector<8x19xf32>
    %slice3A_10 = vector.extract_strided_slice %get3A_6 {offsets = [0, 19, 0], sizes = [8, 1, 19], strides = [1, 1, 1]} : vector<8x20x19xf32> to vector<8x1x19xf32>
    %squeeze3A_11 = vector.shape_cast %slice3A_10 : vector<8x1x19xf32> to vector<8x19xf32>
    %add3A_12 = arith.addf %squeeze3A, %squeeze3A_11 : vector<8x19xf32>
    %max3A = arith.constant 1.000000e+00 : f32
    %max3A_13 = vector.broadcast %max3A : f32 to vector<8x19xf32>
    %max3A_14 = arith.maximumf %add3A_12, %max3A_13 : vector<8x19xf32>
    %broadcast_in_dim3A = vector.shape_cast %max3A_14 : vector<8x19xf32> to vector<8x19x1xf32>
    %div3A = vector.broadcast %broadcast_in_dim3A : vector<8x19x1xf32> to vector<8x19x19xf32>
    %div3A_15 = arith.divf %add3A, %div3A : vector<8x19x19xf32>
    %reduce_max3A = arith.constant dense<0xFF800000> : vector<8x19xf32>
    %reduce_max3A_16 = vector.multi_reduction <maximumf>, %div3A_15, %reduce_max3A [2] : vector<8x19x19xf32> to vector<8x19xf32>
    %broadcast_in_dim3A_17 = vector.shape_cast %reduce_max3A_16 : vector<8x19xf32> to vector<8x19x1xf32>
    %sub3A = vector.broadcast %broadcast_in_dim3A_17 : vector<8x19x1xf32> to vector<8x19x19xf32>
    %sub3A_18 = arith.subf %div3A_15, %sub3A : vector<8x19x19xf32>
    %exp3A = math.exp %sub3A_18 : vector<8x19x19xf32>
    %reduce_sum3A_19 = arith.constant dense<0.000000e+00> : vector<8x19xf32>
    %reduce_sum3A_20 = vector.multi_reduction <add>, %exp3A, %reduce_sum3A_19 [2] : vector<8x19x19xf32> to vector<8x19xf32>
    %broadcast_in_dim3A_21 = vector.shape_cast %reduce_sum3A_20 : vector<8x19xf32> to vector<8x19x1xf32>
    %log3A = math.log %broadcast_in_dim3A_21 : vector<8x19x1xf32>
    %sub3A_22 = vector.broadcast %log3A : vector<8x19x1xf32> to vector<8x19x19xf32>
    %sub3A_23 = arith.subf %sub3A_18, %sub3A_22 : vector<8x19x19xf32>
    %iota3A = tpu.iota {dimensions = array<i32: 0>} : vector<19x19xi32>
    %iota3A_24 = tpu.iota {dimensions = array<i32: 1>} : vector<19x19xi32>
    %eq3A = arith.cmpi eq, %iota3A, %iota3A_24 : vector<19x19xi32>
    %jit3A = arith.constant 0.899999976 : f32
    %jit3A_25 = arith.constant 1.250000e-02 : f32
    %broadcast_in_dim3A_26 = vector.broadcast %jit3A : f32 to vector<19x19xf32>
    %broadcast_in_dim3A_27 = vector.broadcast %jit3A_25 : f32 to vector<19x19xf32>
    %select_n3A = arith.select %eq3A, %broadcast_in_dim3A_26, %broadcast_in_dim3A_27 : vector<19x19xi1>, vector<19x19xf32>
    %broadcast_in_dim3A_28 = vector.shape_cast %select_n3A : vector<19x19xf32> to vector<1x19x19xf32>
    %mul3A = vector.broadcast %broadcast_in_dim3A_28 : vector<1x19x19xf32> to vector<8x19x19xf32>
    %mul3A_29 = arith.mulf %mul3A, %sub3A_23 : vector<8x19x19xf32>
    %reduce_sum3A_30 = arith.constant dense<0.000000e+00> : vector<8x19xf32>
    %reduce_sum3A_31 = vector.multi_reduction <add>, %mul3A_29, %reduce_sum3A_30 [2] : vector<8x19x19xf32> to vector<8x19xf32>
    %iota3A_32 = tpu.iota {dimensions = array<i32: 1>} : vector<8x19xi32>
    %gt3A = arith.constant 0.000000e+00 : f32
    %gt3A_33 = vector.broadcast %gt3A : f32 to vector<8x19xf32>
    %gt3A_34 = arith.cmpf ogt, %add3A_12, %gt3A_33 : vector<8x19xf32>
    %jit3A_35 = arith.constant 19 : i32
    %broadcast_in_dim3A_36 = vector.broadcast %jit3A_35 : i32 to vector<8x19xi32>
    %select_n3A_37 = arith.select %gt3A_34, %iota3A_32, %broadcast_in_dim3A_36 : vector<8x19xi1>, vector<8x19xi32>
    %reduce_min3A = arith.constant dense<2147483647> : vector<8xi32>
    %reduce_min3A_38 = vector.multi_reduction <minsi>, %select_n3A_37, %reduce_min3A [1] : vector<8x19xi32> to vector<8xi32>
    %broadcast_in_dim3A_39 = vector.shape_cast %reduce_min3A_38 : vector<8xi32> to vector<8x1xi32>
    %ne3A = vector.broadcast %broadcast_in_dim3A_39 : vector<8x1xi32> to vector<8x19xi32>
    %ne3A_40 = arith.cmpi ne, %iota3A_32, %ne3A : vector<8x19xi32>
    %and3A = arith.andi %gt3A_34, %ne3A_40 : vector<8x19xi1>
    %convert_element_type3A = arith.extui %and3A : vector<8x19xi1> to vector<8x19xi32>
    %convert_element_type3A_41 = arith.sitofp %convert_element_type3A : vector<8x19xi32> to vector<8x19xf32>
    %mul3A_42 = arith.mulf %convert_element_type3A_41, %reduce_sum3A_31 : vector<8x19xf32>
    %reduce_sum3A_43 = vector.shape_cast %mul3A_42 : vector<8x19xf32> to vector<1x8x19xf32>
    %reduce_sum3A_44 = arith.constant dense<0.000000e+00> : vector<1xf32>
    %reduce_sum3A_45 = vector.multi_reduction <add>, %reduce_sum3A_43, %reduce_sum3A_44 [1, 2] : vector<1x8x19xf32> to vector<1xf32>
    %reduce_sum3A_46 = vector.shape_cast %reduce_sum3A_45 : vector<1xf32> to vector<1x1x1xf32>
    %reduce_sum3A_47 = vector.extract %reduce_sum3A_46[0, 0, 0] : f32 from vector<1x1x1xf32>
    %neg3A = arith.constant 0.000000e+00 : f32
    %neg3A_48 = arith.subf %neg3A, %reduce_sum3A_47 : f32
    %reduce_sum3A_49 = vector.shape_cast %convert_element_type3A_41 : vector<8x19xf32> to vector<1x8x19xf32>
    %reduce_sum3A_50 = arith.constant dense<0.000000e+00> : vector<1xf32>
    %reduce_sum3A_51 = vector.multi_reduction <add>, %reduce_sum3A_49, %reduce_sum3A_50 [1, 2] : vector<1x8x19xf32> to vector<1xf32>
    %reduce_sum3A_52 = vector.shape_cast %reduce_sum3A_51 : vector<1xf32> to vector<1x1x1xf32>
    %reduce_sum3A_53 = vector.extract %reduce_sum3A_52[0, 0, 0] : f32 from vector<1x1x1xf32>
    %div3A_54 = arith.divf %neg3A_48, %reduce_sum3A_53 : f32
    %broadcast_in_dim3A_55 = vector.broadcast %div3A_54 : f32 to vector<1x1xf32>
    %swap3A = arith.constant 0 : index
    %swap3A_56 = arith.constant 0 : index
    %swap3A_57 = vector.load %arg2[%swap3A, %swap3A_56] : memref<1x1xf32, #tpu.memory_space<vmem>>, vector<1x1xf32>
    tpu.vector_store %arg2[%swap3A, %swap3A_56], %broadcast_in_dim3A_55 {strides = array<i32>} : memref<1x1xf32, #tpu.memory_space<vmem>>, vector<1x1xf32>,
    return
  }
}

</mosaic_0001>

<sc_bundles>
// kernel: kernel.5.cloned.1.call-start
scs
__scs_entry_jumppad:
0x0: {  	(pc) =	sbr.rel $0x88, $3  }
0x1: {  	(tag) =	ssettag $0x0;
	lr =	simm.s32 $0x1  }
0x2: {  	[smem:$0x3F9F] =	sst lr;
	_ =	strace $0xD0000000  }
0x3: {  	_ = 	snop  }
0x4: {  	_ = 	snop  }
0x5: {  	_ = 	snop  }
0x6: {  	_ = 	snop  }
0x7: {  	_ = 	snop  }
__scs_overlays_trampoline_lowered:
0x8: {  	[smem:$0x3FAE] =	sst s0  }
0x9: {  	[smem:$0x3FAF] =	sst s1  }
0xa: {  	[smem:$0x3FB0] =	sst s2  }
0xb: {  	[smem:$0x3FB1] =	sst s3  }
0xc: {  	[smem:$0x3FB2] =	sst s4  }
0xd: {  	[smem:$0x3FB3] =	sst s5  }
0xe: {  	[smem:$0x3FB4] =	sst s6  }
0xf: {  	[smem:$0x3FB5] =	sst s7  }
0x10: {  	[smem:$0x3FB6] =	sst s8  }
0x11: {  	[smem:$0x3FB7] =	sst s9;
	s0 =	simm.s32 @!p0 $0x0  }
0x12: {  	s1 =	sld [smem:$0x3F9D];
	s0 =	simm.s32 @p0 $0x1  }
0x13: {  	[smem:$0x3FB8] =	sst s0;
	s0 =	simm.s32 @!p1 $0x0  }
0x14: {  	s2 =	sld [smem:$0x3F9C];
	s0 =	simm.s32 @p1 $0x1  }
0x15: {  	[smem:$0x3FB9] =	sst s0;
	s0 =	simm.s32 @!p2 $0x0  }
0x16: {  	s3 =	sld [smem:$0x3FDB];
	s0 =	simm.s32 @p2 $0x1  }
0x17: {  	s4 =	simm.s32 $0x1BF5;
	[smem:$0x3FBB] =	sst s0  }
0x18: {  	s0 =	sld [smem:$0x3F9E];
	_ =	swait.ge [sflag:s4], $0x0  }
0x19: {  	s7 =	sld [smem:$0x3F9F]  }
0x1a: {  	s8 =	sadd.s32 $0xFFFFE003, lr  }
0x1b: {  	s9 =	sadd.s32 $0xFFFFFEF7, lr;
	s5 =	simm.s32 $0xFFFFFFFF;
	p2 =	slt.u32 s8, $0xFFFFF086  }
0x1c: {  	p1 =	slt.u32 s9, $0xF7A;
	s5 =	simm.s32 @!p2 $0x0  }
0x1d: {  	s5 =	simm.s32 @p1 $0x1;
	p0 =	seq.s32 s7, s2  }
0x1e: {  	s7 =	smul.u32 @!p0 $0xF7A, s2;
	p2 =	seq.s32 @!p0 s5, $0x0  }
0x1f: {  	s9 =	smul.u32 $0xF7A, s1;
	s8 =	simm.s32 @!p0 $0x1BF5;
	p2 =	por !p2, p0  }
0x20: {  	[sflag:s8] =	ssyncset.s32 @!p0 $0xFFFFF086;
	s6 =	sadd.s32 @!p0 s3, s7;
	s7 =	simm.s32 @!p0 $0x108  }
0x21: {  	s3 =	sadd.s32 s3, s9;
	s6 =	sadd.s32 @!p0 $0x88, s6;
	s7 =	simm.s32 @p2 $0x1082  }
0x22: {  	[simem:s7], [sflag:s8] =	dma.local @!p0 [hbm:s6], $0xF7A  }
0x23: {  	s9 =	sor.u32 $0xD0000000, s2;
	s6 =	simm.s32 $0x108;
	_ =	swait.ge @!p0 [sflag:s8], $0x0  }
0x24: {  	s3 =	sadd.s32 $0x88, s3;
	s6 =	simm.s32 @!p1 $0x1082;
	[sflag:s4] =	ssyncset.s32 $0xFFFFF086  }
0x25: {  	[simem:s6], [sflag:s4] =	dma.local [hbm:s3], $0xF7A  }
0x26: {  	[smem:$0x3F9F] =	sst s1;
	(tag) =	ssettag s2;
	_ =	strace s9  }
0x27: {  	s1 =	sld [smem:$0x3FAF]  }
0x28: {  	s2 =	sld [smem:$0x3FB0]  }
0x29: {  	s4 =	sld [smem:$0x3FB2]  }
0x2a: {  	p0 =	seq.s32 s5, $0x0;
	s5 =	sld [smem:$0x3FB3]  }
0x2b: {  	s6 =	sld [smem:$0x3FB4]  }
0x2c: {  	s7 =	sld [smem:$0x3FB5]  }
0x2d: {  	s3 =	simm.s32 $0x108;
	s8 =	sld [smem:$0x3FB6]  }
0x2e: {  	s3 =	simm.s32 @!p0 $0x1082;
	s9 =	sld [smem:$0x3FB7]  }
0x2f: {  	lr =	sadd.s32 s0, s3;
	s0 =	sld [smem:$0x3FAE]  }
0x30: {  	s3 =	sld [smem:$0x3FB1]  }
0x31: {  	[smem:$0x3FBA] =	sst s10  }
0x32: {  	s10 =	sld [smem:$0x3FB8];
	_ =	sdelay $0x3  }
0x33: {  	p0 =	seq.s32 s10, $0x1;
	s10 =	sld [smem:$0x3FBA];
	_ =	sdelay $0x3  }
0x34: {  	[smem:$0x3FBA] =	sst s10  }
0x35: {  	s10 =	sld [smem:$0x3FB9];
	_ =	sdelay $0x3  }
0x36: {  	p1 =	seq.s32 s10, $0x1;
	s10 =	sld [smem:$0x3FBA];
	_ =	sdelay $0x3  }
0x37: {  	[smem:$0x3FBA] =	sst s10  }
0x38: {  	s10 =	sld [smem:$0x3FBB]  }
0x39: {  	_ = 	snop;
	(pc) =	sbr.ind lr, $3  }
0x3a: {  	_ = 	snop  }
0x3b: {  	_ = 	snop  }
0x3c: {  	p2 =	seq.s32 s10, $0x1;
	s10 =	sld [smem:$0x3FBA]  }
0x3d: {  	_ =	shalt  }
0x3e: {  	_ =	shalt  }
0x3f: {  	_ =	shalt  }
0x40: {  	_ =	shalt  }
0x41: {  	_ =	shalt  }
0x42: {  	_ =	shalt  }
0x43: {  	_ =	shalt  }
0x44: {  	_ =	shalt  }
0x45: {  	_ =	shalt  }
0x46: {  	_ =	shalt  }
0x47: {  	_ =	shalt  }
0x48: {  	_ =	shalt  }
0x49: {  	_ =	shalt  }
0x4a: {  	_ =	shalt  }
0x4b: {  	_ =	shalt  }
0x4c: {  	_ =	shalt  }
0x4d: {  	_ =	shalt  }
0x4e: {  	_ =	shalt  }
0x4f: {  	_ =	shalt  }
0x50: {  	_ =	shalt  }
0x51: {  	_ =	shalt  }
0x52: {  	_ =	shalt  }
0x53: {  	_ =	shalt  }
0x54: {  	_ =	shalt  }
0x55: {  	_ =	shalt  }
0x56: {  	_ =	shalt  }
0x57: {  	_ =	shalt  }
0x58: {  	_ =	shalt  }
0x59: {  	_ =	shalt  }
0x5a: {  	_ =	shalt  }
0x5b: {  	_ =	shalt  }
0x5c: {  	_ =	shalt  }
0x5d: {  	_ =	shalt  }
0x5e: {  	_ =	shalt  }
0x5f: {  	_ =	shalt  }
0x60: {  	_ =	shalt  }
0x61: {  	_ =	shalt  }
0x62: {  	_ =	shalt  }
0x63: {  	_ =	shalt  }
0x64: {  	_ =	shalt  }
0x65: {  	_ =	shalt  }
0x66: {  	_ =	shalt  }
0x67: {  	_ =	shalt  }
0x68: {  	_ =	shalt  }
0x69: {  	_ =	shalt  }
0x6a: {  	_ =	shalt  }
0x6b: {  	_ =	shalt  }
0x6c: {  	_ =	shalt  }
0x6d: {  	_ =	shalt  }
0x6e: {  	_ =	shalt  }
0x6f: {  	_ =	shalt  }
0x70: {  	_ =	shalt  }
0x71: {  	_ =	shalt  }
0x72: {  	_ =	shalt  }
0x73: {  	_ =	shalt  }
0x74: {  	_ =	shalt  }
0x75: {  	_ =	shalt  }
0x76: {  	_ =	shalt  }
0x77: {  	_ =	shalt  }
0x78: {  	_ =	shalt  }
0x79: {  	_ =	shalt  }
0x7a: {  	_ =	shalt  }
0x7b: {  	_ =	shalt  }
0x7c: {  	_ =	shalt  }
0x7d: {  	_ =	shalt  }
0x7e: {  	_ =	shalt  }
0x7f: {  	_ =	shalt  }
0x80: {  	_ =	shalt  }
0x81: {  	_ =	shalt  }
0x82: {  	_ =	shalt  }
0x83: {  	_ =	shalt  }
0x84: {  	_ =	shalt  }
0x85: {  	_ =	shalt  }
0x86: {  	_ =	shalt  }
0x87: {  	_ =	shalt  }
.Lfunc_end0:
.L_simem_size_0:
called_computation_lowered:
.L_overlay_start_0:
0x88: {  	s2 =	sld [smem:$0x3FD9]  }
0x89: {  	s3 =	sld [smem:$0x3FFE];
	_ =	sdelay $0x1  }
0x8a: {  	s1 =	srdreg.scid  }
0x8b: {  	s0 =	sand.u32 $0x1, s1  }
0x8c: {  	s17 =	sshll.u32 s0, $0xA;
	s2 =	sadd.s32 s3, s2  }
0x8d: {  	s2 =	sadd.s32 s2, s17  }
0x8e: {  	[smem:$0x3FC6] =	sst s2  }
0x8f: {  	_ = 	snop  }
0x90: {  	s2 =	sld [smem:$0x3FC9]  }
0x91: {  	s18 =	sld [smem:$0x3FC8];
	(tm) =	ssettm $0x1  }
0x92: {  	s4 =	sld [smem:$0x3FFB];
	_ =	sdelay $0x3  }
0x93: {  	_ =	strace s4  }
0x94: {  	s4 =	sld [smem:$0x3FFC];
	_ =	sdelay $0x3  }
0x95: {  	_ =	strace s4  }
0x96: {  	s4 =	sld [smem:$0x3FFD];
	_ =	sdelay $0x3  }
0x97: {  	_ =	strace s4  }
0x98: {  	_ =	strace $0x8FFFFFFF  }
0x99: {  	s19 =	sld [smem:$0x3FDB];
	_ =	sdelay $0x1  }
0x9a: {  	s5 =	simm.s32 $_scs_section_size  }
0x9b: {  	s6 =	simm.s32 $_size__tile_overlayer_lowered;
	s7 =	simm.s32 $_tile_overlayer_lowered  }
0x9c: {  	s22 =	simm.s32 $0x1BFF;
	s21 =	sshll.u32 s7, $0x1;
	s4 =	sadd.s32 s5, s19  }
0x9d: {  	s8 =	simm.s32 $0x0;
	s20 =	sshll.u32 s6, $0x1;
	s6 =	sadd.s32 s21, s4  }
0x9e: {  	[timem:s8], [sflag:s22] =	dma.local [hbm:s6], s20  }
0x9f: {  	_ =	swait.ge [sflag:s22], s20  }
0xa0: {  	s5 =	ssub.s32 $0x0, s20;
	[sflag:s22] =	ssyncset.done $0x0  }
0xa1: {  	[sflag:s22] =	ssyncadd.s32 s5;
	_ =	sdelay $0x1  }
0xa2: {  	s23 =	simm.s32 $0x1B8B  }
0xa3: {  	_ =	swait.ge [sflag:s23], $0x1  }
0xa4: {  	[sflag:s23] =	ssyncset.done $0x0  }
0xa5: {  	s25 =	simm.s32 $0x1B8E;
	s24 =	sld [smem:$0x3FFE];
	[sflag:s23] =	ssyncadd.s32 $0xFFFFFFFF  }
0xa6: {  	s26 =	simm.s32 $execute0_lowered;
	[smem:$0x3FD2] =	sst s25  }
0xa7: {  	s6 =	sshll.u32 s26, $0x1;
	_ =	strace $0x80000046;
	[dreg:$0x1] =	wrdreg $0xFFFFFFFF  }
0xa8: {  	s28 =	simm.s32 $_size_execute0_lowered;
	s4 =	sadd.s32 s4, s6;
	[dreg:$0x0] =	wrdreg $0x0  }
0xa9: {  	s6 =	sshll.u32 s28, $0x1;
	[dreg:$0x2] =	wrdreg s4  }
0xaa: {  	[dreg:$0x3] =	wrdreg s6  }
0xab: {  	[dreg:$0x4] =	wrdreg $0xC0  }
0xac: {  	_ =	task [dreg:s8], $0x5FFFF  }
0xad: {  	[dreg:$0x1] =	wrdreg $0xFFFFFFFF  }
0xae: {  	[dreg:$0x0] =	wrdreg $0x60  }
0xaf: {  	[dreg:$0x2] =	wrdreg s2  }
0xb0: {  	[dreg:$0x3] =	wrdreg s18  }
0xb1: {  	[dreg:$0x4] =	wrdreg s24  }
0xb2: {  	[dreg:$0x5] =	wrdreg $0x9  }
0xb3: {  	_ =	task.clear_ibuf [dreg:s8], $0x6FFFF;
	_ =	strace $0x90000046  }
0xb4: {  	s29 =	simm.s32 $0x9;
	_ =	strace $0x80000048  }
0xb5: {  	_ =	swait.ge [sflag:s29], $0x1  }
0xb6: {  	[sflag:s29] =	ssyncadd.s32 $0xFFFFFFFF  }
0xb7: {  	_ =	strace $0x90000048  }
0xb8: {  	_ =	sfence  }
0xb9: {  	s30 =	sld [smem:$0x0];
	_ =	sdelay $0x2  }
0xba: {  	s31 =	sshll.u32 s1, $0xD;
	s1 =	sshrl.u32 s1, $0x2  }
0xbb: {  	s3 =	sand.u32 $0x4000, s31;
	s1 =	sadd.s32 s1, s30  }
0xbc: {  	s0 =	sor.u32 s3, s0;
	s1 =	sshll.u32 s1, $0x11  }
0xbd: {  	s0 =	sor.u32 s1, s0  }
0xbe: {  	s0 =	sadd.s32 $0x8F2B, s0  }
0xbf: {  	[sflag:s0] =	ssyncadd.remote.s32 $0x1  }
0xc0: {  	_ =	sfence.sel $0xFFFF  }
0xc1: {  	[dreg:$0x0] =	wrdreg $0xFFFFFFFF;
	(pc) =	sbr.abs _section_cstart, $3  }
0xc2: {  	[dreg:$0x1] =	wrdreg $0xFFFFFFFF  }
0xc3: {  	_ =	task.clear_ibuf [dreg:s8], $0x2FFFF;
	_ =	strace $0x9FFFFFFF  }
0xc4: {  	(tm) =	ssettm $0x7FFFFFFF  }
0xc5: {  	_ =	shalt  }
tec
execute0_lowered:
.L_overlay_start_1:
0x0: {  	(tag) =	ssettag $0x1  }
0x1: {  	s0 =	srdreg.scid;
	s8 =	rddreg [dreg:$0x0]  }
0x2: {  	s5 =	stileid.u32;
	s9 =	rddreg [dreg:$0x1]  }
0x3: {  	s3 =	rddreg [dreg:$0x2];
	s0 =	sand.u32 $0x1, s0;
	s1 =	sshll.u32 s5, $0x1  }
0x4: {  	s7 =	simm.s32 $0x0;
	s4 =	sshrl.u32 s5, $0x2;
	s1 =	sor.u32 s0, s1  }
0x5: {  	s29 =	sshrl.u32 s5, $0x1;
	s6 =	smul.u32 $0xC00, s4;
	s2 =	sand.u32 $0x3, s1  }
0x6: {  	[smem:$0x7FF] =	sst s7;
	s1 =	sshll.u32 s1, $0x7;
	s2 =	smul.u32 $0x50, s2  }
0x7: {  	s5 =	smul.u32 $0x24000, s29;
	s0 =	ssub.s32 $0x2, s0;
	s1 =	sand.u32 $0x380, s1  }
0x8: {  	s31 =	sshrl.u32 s0, $0x1;
	s1 =	sor.u32 s6, s1;
	s2 =	sshrl.u32 s2, $0x3  }
0x9: {  	s0 =	ssub.s32 s0, s31;
	s1 =	sshrl.u32 s1, $0x3;
	s2 =	sadd.s32 $0x8, s2  }
0xa: {  	s1 =	sadd.s32 s1, s3;
	[dreg:$0x4] =	wrdreg s2;
	s2 =	smul.u32 $0xC00, s2  }
0xb: {  	v0 =	vimm.f32 $0.0e+00;
	v1 =	vlaneseq.u32;
	s4 =	smul.u32 $0x2AC000, s29;
	s0 =	smax.u32 s0, $0x1;
	s1 =	sadd.s32 $0x800, s1  }
0xc: {  	v3 =	vimm.f32 $1.000000000e+00;
	v2 =	vor.u32 $0x130, v1;
	v4 =	vor.u32 $0x10, v1;
	_ =	strace $0x80000047;
	[dreg:$0x5] =	wrdreg s5;
	s30 =	sadd.s32 s5, s2  }
0xd: {  	v5 =	vor.u32 $0x20, v1;
	v6 =	vor.u32 $0x30, v1;
	v7 =	vor.u32 $0x40, v1;
	[dreg:$0xa] =	wrdreg s1;
	s2 =	sadd.s32 s4, s2;
	s3 =	sshrl.u32 s30, $0x3  }
0xe: {  	v8 =	vor.u32 $0x50, v1;
	v9 =	vor.u32 $0x60, v1;
	v10 =	vor.u32 $0x70, v1;
	[dreg:$0xb] =	wrdreg s0;
	s2 =	sshrl.u32 s2, $0x3;
	s3 =	sadd.s32 s8, s3  }
0xf: {  	v11 =	vor.u32 $0x80, v1;
	v12 =	vor.u32 $0x90, v1;
	v13 =	vor.u32 $0xA0, v1;
	s2 =	sadd.s32 s9, s2;
	[dreg:$0x6] =	wrdreg s3  }
0x10: {  	s20 =	simm.s32 $0xA000;
	v14 =	vor.u32 $0xB0, v1;
	v15 =	vor.u32 $0xC0, v1;
	v16 =	vor.u32 $0xD0, v1;
	s3 =	sadd.s32 $0x80, s3;
	[dreg:$0x7] =	wrdreg s2  }
0x11: {  	s28 =	simm.s32 $0x0;
	v17 =	vor.u32 $0xE0, v1;
	v18 =	vor.u32 $0xF0, v1;
	v22 =	vmul.u32 $0x10, v1;
	s2 =	sadd.s32 $0x80, s2;
	[dreg:$0x8] =	wrdreg s3  }
0x12: {  	v19 =	vor.u32 $0x100, v1;
	v20 =	vor.u32 $0x110, v1;
	v21 =	vor.u32 $0x120, v1;
	s7 =	smov.u32 s4;
	[dreg:$0x9] =	wrdreg s2;
	s2 =	simm.s32 $0x0  }
.LBB2_1:
0x13: {  	[dreg:$0xc] =	wrdreg s2;
	s0 =	simm.s32 $0x40;
	s1 =	simm.s32 $0x0  }
.LBB2_2:
0x14: {  	p0 =	sne.s32 s0, $0x5FC0;
	[tilespmem:s1+$0xA000] =	vst v0;
	s1 =	smov.u32 s0;
	s0 =	sadd.s32 $0x40, s0  }
.Ltmp0:
0x15: {  	(pc) =	sbr.rel @p0 .LBB2_2-.Ltmp0, $2  }
0x16: {  	_ =	sdelay $0x2  }
0x17: {  	s1 =	sshra.s32 s1, $0x2  }
0x18: {  	s0 =	rddreg [dreg:$0x6]  }
0x19: {  	[tilespmem:s1+$0xA000] =	vst v0;
	s24 =	rddreg [dreg:$0x7]  }
0x1a: {  	[tilespmem:s28], [sflag:$0x1] =	stream.linear.gather [hbm4b:s0+s28], $0x400, $0x38;
	[tilespmem:$0xB980] =	vst v63  }
0x1b: {  	s25 =	simm.s32 $0x400;
	s2 =	simm.s32 $0x24000;
	s3 =	simm.s32 $0x800  }
0x1c: {  	[tilespmem:s3], [sflag:$0x3] =	stream.strided.gather [hbm4b:s24+s25], $0x4C00, s2, s25, $0x38;
	[tilespmem:$0xB980] =	vst v63  }
0x1d: {  	s26 =	rddreg [dreg:$0x8]  }
0x1e: {  	[tilespmem:s25], [sflag:$0x2] =	stream.linear.gather [hbm4b:s26+s28], $0x400, $0x38;
	[tilespmem:$0xB980] =	vst v63  }
0x1f: {  	s30 =	rddreg [dreg:$0x9];
	s31 =	simm.s32 $0x5400;
	s29 =	simm.s32 $0x0  }
0x20: {  	[tilespmem:s31], [sflag:$0x4] =	stream.strided.gather [hbm4b:s30+s25], $0x4C00, s2, s25, $0x38;
	[tilespmem:$0xB980] =	vst v63  }
.LBB2_4:
0x21: {  	s0 =	simm.s32 $0x1  }
0x22: {  	_ =	swait.ge [sflag:s0], $0x400  }
0x23: {  	[sflag:s0] =	ssyncset.done $0x0  }
0x24: {  	s1 =	simm.s32 $0x3;
	[sflag:s0] =	ssyncadd.s32 $0xFFFFFC00  }
0x25: {  	s0 =	sand.u32 $0x60, s28;
	_ =	swait.ge [sflag:s1], $0x4C00  }
0x26: {  	s2 =	sand.u32 $0x380, s28;
	s6 =	sor.u32 $0x10, s0;
	[sflag:s1] =	ssyncset.done $0x0  }
0x27: {  	s8 =	sor.u32 $0xC00, s2;
	s5 =	sor.u32 s2, s6;
	[sflag:s1] =	ssyncadd.s32 $0xFFFFB400  }
0x28: {  	s9 =	sor.u32 $0x1000, s2;
	s3 =	sor.u32 s6, s8;
	v23 =	vld [tilespmem:s5+$0x800]  }
0x29: {  	s10 =	sor.u32 $0x1400, s2;
	s13 =	sor.u32 s6, s9;
	v24 =	vld [tilespmem:s3+$0x0]  }
0x2a: {  	s11 =	sor.u32 $0x1800, s2;
	s14 =	sor.u32 s6, s10;
	v25 =	vld [tilespmem:s13+$0x0]  }
0x2b: {  	s12 =	sor.u32 $0x1C00, s2;
	s15 =	sor.u32 s6, s11;
	v26 =	vld [tilespmem:s14+$0x0]  }
0x2c: {  	s16 =	sor.u32 s6, s12;
	v27 =	vld [tilespmem:s15+$0x0]  }
0x2d: {  	v28 =	vld [tilespmem:s16+$0x0]  }
0x2e: {  	s8 =	sor.u32 s0, s8;
	v31 =	vld [tilespmem:s5+$0x0]  }
0x2f: {  	s9 =	sor.u32 s0, s9;
	v43 =	vld [tilespmem:s8+$0x0]  }
0x30: {  	s10 =	sor.u32 s0, s10;
	v44 =	vld [tilespmem:s9+$0x0]  }
0x31: {  	s11 =	sor.u32 s0, s11;
	v45 =	vld [tilespmem:s10+$0x0]  }
0x32: {  	s12 =	sor.u32 s0, s12;
	s1 =	sor.u32 $0x4C00, s2;
	v46 =	vld [tilespmem:s11+$0x0]  }
0x33: {  	s13 =	sor.u32 $0x2000, s2;
	s5 =	sor.u32 s6, s1;
	v47 =	vld [tilespmem:s12+$0x0]  }
0x34: {  	s14 =	sor.u32 $0x2400, s2;
	s17 =	sor.u32 s6, s13;
	v41 =	vld [tilespmem:s5+$0x0]  }
0x35: {  	s15 =	sor.u32 $0x2800, s2;
	s18 =	sor.u32 s6, s14;
	v29 =	vld [tilespmem:s17+$0x0]  }
0x36: {  	s16 =	sor.u32 $0x2C00, s2;
	s19 =	sor.u32 s6, s15;
	v30 =	vld [tilespmem:s18+$0x0]  }
0x37: {  	s3 =	sor.u32 $0x4800, s2;
	s21 =	sor.u32 s6, s16;
	v32 =	vld [tilespmem:s19+$0x0]  }
0x38: {  	s4 =	sor.u32 s6, s3;
	v33 =	vld [tilespmem:s21+$0x0]  }
0x39: {  	s13 =	sor.u32 s0, s13;
	v40 =	vld [tilespmem:s4+$0x0]  }
0x3a: {  	s14 =	sor.u32 s0, s14;
	v48 =	vld [tilespmem:s13+$0x0]  }
0x3b: {  	s15 =	sor.u32 s0, s15;
	v49 =	vld [tilespmem:s14+$0x0]  }
0x3c: {  	s16 =	sor.u32 s0, s16;
	s17 =	sor.u32 $0x3000, s2;
	v50 =	vld [tilespmem:s15+$0x0]  }
0x3d: {  	s18 =	sor.u32 $0x3400, s2;
	v51 =	vld [tilespmem:s16+$0x0];
	s22 =	sor.u32 s6, s17  }
0x3e: {  	s19 =	sor.u32 $0x3800, s2;
	s23 =	sor.u32 s6, s18;
	v34 =	vld [tilespmem:s22+$0x0]  }
0x3f: {  	s21 =	sor.u32 $0x3C00, s2;
	s24 =	sor.u32 s6, s19;
	v35 =	vld [tilespmem:s23+$0x0]  }
0x40: {  	s25 =	sor.u32 s6, s21;
	v36 =	vld [tilespmem:s24+$0x0]  }
0x41: {  	s17 =	sor.u32 s0, s17;
	v37 =	vld [tilespmem:s25+$0x0]  }
0x42: {  	s18 =	sor.u32 s0, s18;
	v52 =	vld [tilespmem:s17+$0x0]  }
0x43: {  	s19 =	sor.u32 s0, s19;
	s22 =	sor.u32 $0x4000, s2;
	v53 =	vld [tilespmem:s18+$0x0];
	v31 =	vmul.u32 $0x140, v31  }
0x44: {  	s23 =	sor.u32 $0x4400, s2;
	v55 =	vld [tilespmem:s19+$0x0];
	s26 =	sor.u32 s6, s22  }
0x45: {  	s2 =	sor.u32 $0x5000, s2;
	s24 =	sor.u32 s6, s23;
	v38 =	vld [tilespmem:s26+$0x0];
	v54 =	vadd.s32 v2, v31  }
0x46: {  	s6 =	sor.u32 s6, s2;
	v39 =	vld [tilespmem:s24+$0x0];
	v56 =	vor.u32 v1, v31  }
0x47: {  	s25 =	sor.u32 s0, s22;
	v42 =	vld [tilespmem:s6+$0x0];
	v58 =	vor.u32 v4, v31  }
0x48: {  	s24 =	sor.u32 s0, s21;
	v59 =	vld [tilespmem:s25+$0x0];
	v60 =	vor.u32 v5, v31  }
0x49: {  	v57 =	vld [tilespmem:s24+$0x0];
	v62 =	vor.u32 v6, v31  }
0x4a: {  	v63 =	vadd.s32 v7, v31;
	[tilespmem:v54+s20+$0x0] =	vst.idx.add.f32.msk $0xffff, v3  }
0x4b: {  	[tilespmem:v56+s20+$0x0] =	vst.idx.add.f32.msk $0xffff, v23;
	v23 =	vadd.s32 v8, v31  }
0x4c: {  	[tilespmem:v58+s20+$0x0] =	vst.idx.add.f32.msk $0xffff, v24;
	v24 =	vadd.s32 v9, v31  }
0x4d: {  	[tilespmem:v60+s20+$0x0] =	vst.idx.add.f32.msk $0xffff, v25;
	v25 =	vadd.s32 v10, v31  }
0x4e: {  	[tilespmem:v62+s20+$0x0] =	vst.idx.add.f32.msk $0xffff, v26;
	v26 =	vadd.s32 v11, v31  }
0x4f: {  	[tilespmem:v63+s20+$0x0] =	vst.idx.add.f32.msk $0xffff, v27;
	v27 =	vadd.s32 v12, v31  }
0x50: {  	[tilespmem:v23+s20+$0x0] =	vst.idx.add.f32.msk $0xffff, v28;
	v23 =	vadd.s32 v13, v31  }
0x51: {  	[tilespmem:v24+s20+$0x0] =	vst.idx.add.f32.msk $0xffff, v29;
	v24 =	vadd.s32 v14, v31  }
0x52: {  	[tilespmem:v25+s20+$0x0] =	vst.idx.add.f32.msk $0xffff, v30  }
0x53: {  	v25 =	vadd.s32 v15, v31;
	[tilespmem:v26+s20+$0x0] =	vst.idx.add.f32.msk $0xffff, v32  }
0x54: {  	[tilespmem:v27+s20+$0x0] =	vst.idx.add.f32.msk $0xffff, v33  }
0x55: {  	v26 =	vadd.s32 v16, v31;
	[tilespmem:v23+s20+$0x0] =	vst.idx.add.f32.msk $0xffff, v34  }
0x56: {  	v23 =	vadd.s32 v17, v31;
	[tilespmem:v24+s20+$0x0] =	vst.idx.add.f32.msk $0xffff, v35  }
0x57: {  	v24 =	vld [tilespmem:s28+$0x0]  }
0x58: {  	s26 =	sor.u32 s0, s23;
	[tilespmem:v25+s20+$0x0] =	vst.idx.add.f32.msk $0xffff, v36;
	v25 =	vadd.s32 v18, v31  }
0x59: {  	v61 =	vld [tilespmem:s26+$0x0];
	v27 =	vadd.s32 v19, v31  }
0x5a: {  	[tilespmem:v26+s20+$0x0] =	vst.idx.add.f32.msk $0xffff, v37;
	v26 =	vadd.s32 v20, v31  }
0x5b: {  	s30 =	simm.s32 $0x800;
	[tilespmem:v23+s20+$0x0] =	vst.idx.add.f32.msk $0xffff, v38  }
0x5c: {  	v23 =	vld [tilespmem:s30+$0x0];
	v54 =	vmul.u32 $0x140, v24  }
0x5d: {  	[tilespmem:v25+s20+$0x0] =	vst.idx.add.f32.msk $0xffff, v39  }
0x5e: {  	[tilespmem:v27+s20+$0x0] =	vst.idx.add.f32.msk $0xffff, v40;
	v25 =	vadd.s32 v2, v54  }
0x5f: {  	s1 =	sor.u32 s0, s1;
	[tilespmem:v26+s20+$0x0] =	vst.idx.add.f32.msk $0xffff, v41;
	v26 =	vor.u32 v1, v54  }
0x60: {  	s3 =	sor.u32 s0, s3;
	v56 =	vld [tilespmem:s1+$0x0];
	v27 =	vor.u32 v4, v54  }
0x61: {  	s0 =	sor.u32 s0, s2;
	v36 =	vld [tilespmem:s3+$0x0];
	v58 =	vor.u32 v5, v54  }
0x62: {  	v24 =	vld [tilespmem:s0+$0x0];
	v60 =	vor.u32 v6, v54  }
0x63: {  	[tilespmem:v25+s20+$0x0] =	vst.idx.add.f32.msk $0xffff, v3;
	v25 =	vadd.s32 v7, v54  }
0x64: {  	[tilespmem:v26+s20+$0x0] =	vst.idx.add.f32.msk $0xffff, v23;
	v23 =	vadd.s32 v8, v54  }
0x65: {  	v26 =	vadd.s32 v9, v54;
	[tilespmem:v27+s20+$0x0] =	vst.idx.add.f32.msk $0xffff, v43  }
0x66: {  	v27 =	vadd.s32 v10, v54;
	[tilespmem:v58+s20+$0x0] =	vst.idx.add.f32.msk $0xffff, v44  }
0x67: {  	v62 =	vadd.s32 v11, v54;
	[tilespmem:v60+s20+$0x0] =	vst.idx.add.f32.msk $0xffff, v45  }
0x68: {  	[tilespmem:v25+s20+$0x0] =	vst.idx.add.f32.msk $0xffff, v46;
	v25 =	vadd.s32 v12, v54  }
0x69: {  	[tilespmem:v23+s20+$0x0] =	vst.idx.add.f32.msk $0xffff, v47;
	v23 =	vadd.s32 v13, v54  }
0x6a: {  	[tilespmem:v26+s20+$0x0] =	vst.idx.add.f32.msk $0xffff, v48;
	v26 =	vadd.s32 v14, v54  }
0x6b: {  	[tilespmem:v27+s20+$0x0] =	vst.idx.add.f32.msk $0xffff, v49;
	v27 =	vadd.s32 v15, v54  }
0x6c: {  	v63 =	vadd.s32 v16, v54;
	[tilespmem:v62+s20+$0x0] =	vst.idx.add.f32.msk $0xffff, v50  }
0x6d: {  	[tilespmem:v25+s20+$0x0] =	vst.idx.add.f32.msk $0xffff, v51;
	v25 =	vadd.s32 v17, v54  }
0x6e: {  	[tilespmem:v23+s20+$0x0] =	vst.idx.add.f32.msk $0xffff, v52;
	v23 =	vadd.s32 v18, v54  }
0x6f: {  	[tilespmem:v26+s20+$0x0] =	vst.idx.add.f32.msk $0xffff, v53  }
0x70: {  	v37 =	vadd.s32 v21, v31;
	[tilespmem:v27+s20+$0x0] =	vst.idx.add.f32.msk $0xffff, v55  }
0x71: {  	v26 =	vadd.s32 v19, v54;
	[tilespmem:v63+s20+$0x0] =	vst.idx.add.f32.msk $0xffff, v57  }
0x72: {  	v27 =	vadd.s32 v20, v54;
	[tilespmem:v25+s20+$0x0] =	vst.idx.add.f32.msk $0xffff, v59  }
0x73: {  	[tilespmem:v23+s20+$0x0] =	vst.idx.add.f32.msk $0xffff, v61;
	v23 =	vadd.s32 v21, v54;
	_ =	sdelay $0x1  }
0x74: {  	[tilespmem:v37+s20+$0x0] =	vst.idx.add.f32.msk $0xffff, v42  }
0x75: {  	[tilespmem:v26+s20+$0x0] =	vst.idx.add.f32.msk $0xffff, v36  }
0x76: {  	s31 =	simm.s32 $0x0;
	s1 =	simm.s32 $0x20;
	s0 =	simm.s32 $0x0;
	[tilespmem:v27+s20+$0x0] =	vst.idx.add.f32.msk $0xffff, v56  }
.LBB2_5:
0x77: {  	s25 =	sand.u32 $0x60, s1;
	[tilespmem:v23+s20+$0x0] =	vst.idx.add.f32.msk $0xffff, v24;
	s30 =	sadd.s32 $0x20, s30  }
0x78: {  	s22 =	sand.u32 $0x380, s1;
	s0 =	sadd.s32 $0x20, s0;
	v23 =	vld [tilespmem:s30+$0x0];
	s21 =	sor.u32 $0x10, s25  }
0x79: {  	s2 =	sor.u32 $0xC00, s22;
	v24 =	vld [tilespmem:s0+$0x0];
	s3 =	sor.u32 s22, s21  }
0x7a: {  	s6 =	sor.u32 $0x1000, s22;
	s16 =	sor.u32 s25, s2;
	s2 =	sor.u32 s21, s2;
	v25 =	vld [tilespmem:s3+$0x800]  }
0x7b: {  	s8 =	sor.u32 $0x1400, s22;
	s10 =	sor.u32 s25, s6;
	v26 =	vld [tilespmem:s2+$0x0];
	s2 =	sor.u32 s21, s6  }
0x7c: {  	s11 =	sor.u32 s25, s8;
	s6 =	sor.u32 $0x1800, s22;
	v27 =	vld [tilespmem:s2+$0x0];
	s2 =	sor.u32 s21, s8  }
0x7d: {  	s12 =	sor.u32 s25, s6;
	s8 =	sor.u32 $0x1C00, s22;
	v28 =	vld [tilespmem:s2+$0x0];
	s2 =	sor.u32 s21, s6  }
0x7e: {  	s9 =	sor.u32 $0x2000, s22;
	s13 =	sor.u32 s25, s8;
	v29 =	vld [tilespmem:s2+$0x0];
	s2 =	sor.u32 s21, s8  }
0x7f: {  	s14 =	sor.u32 $0x2400, s22;
	s6 =	sor.u32 s25, s9;
	v30 =	vld [tilespmem:s2+$0x0];
	s2 =	sor.u32 s21, s9  }
0x80: {  	s8 =	sor.u32 s25, s14;
	v31 =	vld [tilespmem:s2+$0x0];
	s2 =	sor.u32 s21, s14  }
0x81: {  	s9 =	sor.u32 $0x2800, s22;
	v32 =	vld [tilespmem:s2+$0x0]  }
0x82: {  	s14 =	sor.u32 $0x2C00, s22;
	s2 =	sor.u32 s25, s9;
	s9 =	sor.u32 s21, s9;
	v33 =	vld [tilespmem:s3+$0x0]  }
0x83: {  	s15 =	sor.u32 $0x3000, s22;
	s3 =	sor.u32 s25, s14;
	s14 =	sor.u32 s21, s14;
	v34 =	vld [tilespmem:s9+$0x0]  }
0x84: {  	s17 =	sor.u32 $0x3400, s22;
	s9 =	sor.u32 s25, s15;
	s15 =	sor.u32 s21, s15;
	v35 =	vld [tilespmem:s14+$0x0]  }
0x85: {  	s18 =	sor.u32 $0x3800, s22;
	s14 =	sor.u32 s25, s17;
	s17 =	sor.u32 s21, s17;
	v36 =	vld [tilespmem:s15+$0x0]  }
0x86: {  	s19 =	sor.u32 $0x3C00, s22;
	s15 =	sor.u32 s25, s18;
	s18 =	sor.u32 s21, s18;
	v37 =	vld [tilespmem:s17+$0x0]  }
0x87: {  	s23 =	sor.u32 $0x4000, s22;
	s17 =	sor.u32 s25, s19;
	s19 =	sor.u32 s21, s19;
	v33 =	vmul.u32 $0x140, v33;
	v38 =	vld [tilespmem:s18+$0x0]  }
0x88: {  	s24 =	sor.u32 $0x4400, s22;
	s18 =	sor.u32 s25, s23;
	s23 =	sor.u32 s21, s23;
	v39 =	vld [tilespmem:s19+$0x0]  }
0x89: {  	s26 =	sor.u32 $0x4800, s22;
	s19 =	sor.u32 s25, s24;
	s24 =	sor.u32 s21, s24;
	v40 =	vld [tilespmem:s23+$0x0];
	v41 =	vadd.s32 v2, v33  }
0x8a: {  	s4 =	sor.u32 $0x4C00, s22;
	s23 =	sor.u32 s25, s26;
	v42 =	vor.u32 v1, v33;
	s26 =	sor.u32 s21, s26;
	v43 =	vld [tilespmem:s24+$0x0]  }
0x8b: {  	s22 =	sor.u32 $0x5000, s22;
	v45 =	vor.u32 v4, v33;
	s24 =	sor.u32 s25, s4;
	s4 =	sor.u32 s21, s4;
	v44 =	vld [tilespmem:s26+$0x0]  }
0x8c: {  	v47 =	vor.u32 v5, v33;
	s25 =	sor.u32 s25, s22;
	v46 =	vld [tilespmem:s4+$0x0];
	s4 =	sor.u32 s21, s22  }
0x8d: {  	v49 =	vor.u32 v6, v33;
	v48 =	vld [tilespmem:s4+$0x0]  }
0x8e: {  	[tilespmem:v41+s20+$0x0] =	vst.idx.add.f32.msk $0xffff, v3;
	v41 =	vadd.s32 v7, v33  }
0x8f: {  	[tilespmem:v42+s20+$0x0] =	vst.idx.add.f32.msk $0xffff, v25;
	v25 =	vadd.s32 v8, v33  }
0x90: {  	[tilespmem:v45+s20+$0x0] =	vst.idx.add.f32.msk $0xffff, v26;
	v26 =	vadd.s32 v9, v33  }
0x91: {  	[tilespmem:v47+s20+$0x0] =	vst.idx.add.f32.msk $0xffff, v27;
	v27 =	vadd.s32 v10, v33  }
0x92: {  	s31 =	sadd.s32 $0x2, s31;
	[tilespmem:v49+s20+$0x0] =	vst.idx.add.f32.msk $0xffff, v28;
	v28 =	vadd.s32 v11, v33  }
0x93: {  	p0 =	slt.u32 s31, $0x3E;
	[tilespmem:v41+s20+$0x0] =	vst.idx.add.f32.msk $0xffff, v29;
	v29 =	vadd.s32 v12, v33  }
0x94: {  	[tilespmem:v25+s20+$0x0] =	vst.idx.add.f32.msk $0xffff, v30;
	v25 =	vadd.s32 v13, v33  }
0x95: {  	[tilespmem:v26+s20+$0x0] =	vst.idx.add.f32.msk $0xffff, v31;
	v26 =	vadd.s32 v14, v33  }
0x96: {  	[tilespmem:v27+s20+$0x0] =	vst.idx.add.f32.msk $0xffff, v32;
	v27 =	vadd.s32 v15, v33  }
0x97: {  	[tilespmem:v28+s20+$0x0] =	vst.idx.add.f32.msk $0xffff, v34;
	v28 =	vadd.s32 v16, v33  }
0x98: {  	[tilespmem:v29+s20+$0x0] =	vst.idx.add.f32.msk $0xffff, v35;
	v29 =	vadd.s32 v17, v33  }
0x99: {  	[tilespmem:v25+s20+$0x0] =	vst.idx.add.f32.msk $0xffff, v36;
	v25 =	vadd.s32 v18, v33  }
0x9a: {  	[tilespmem:v26+s20+$0x0] =	vst.idx.add.f32.msk $0xffff, v37;
	v26 =	vadd.s32 v19, v33  }
0x9b: {  	[tilespmem:v27+s20+$0x0] =	vst.idx.add.f32.msk $0xffff, v38;
	v27 =	vadd.s32 v20, v33  }
0x9c: {  	[tilespmem:v28+s20+$0x0] =	vst.idx.add.f32.msk $0xffff, v39;
	v28 =	vadd.s32 v21, v33  }
0x9d: {  	[tilespmem:v29+s20+$0x0] =	vst.idx.add.f32.msk $0xffff, v40  }
0x9e: {  	[tilespmem:v25+s20+$0x0] =	vst.idx.add.f32.msk $0xffff, v43  }
0x9f: {  	[tilespmem:v26+s20+$0x0] =	vst.idx.add.f32.msk $0xffff, v44  }
0xa0: {  	[tilespmem:v27+s20+$0x0] =	vst.idx.add.f32.msk $0xffff, v46  }
0xa1: {  	[tilespmem:v28+s20+$0x0] =	vst.idx.add.f32.msk $0xffff, v48  }
0xa2: {  	v25 =	vld [tilespmem:s16+$0x0]  }
0xa3: {  	v26 =	vld [tilespmem:s10+$0x0]  }
0xa4: {  	v27 =	vld [tilespmem:s11+$0x0]  }
0xa5: {  	v28 =	vld [tilespmem:s12+$0x0]  }
0xa6: {  	v29 =	vld [tilespmem:s13+$0x0]  }
0xa7: {  	v30 =	vld [tilespmem:s6+$0x0]  }
0xa8: {  	v31 =	vld [tilespmem:s8+$0x0]  }
0xa9: {  	v32 =	vld [tilespmem:s2+$0x0]  }
0xaa: {  	v33 =	vld [tilespmem:s3+$0x0]  }
0xab: {  	v34 =	vld [tilespmem:s9+$0x0]  }
0xac: {  	v35 =	vld [tilespmem:s14+$0x0]  }
0xad: {  	v36 =	vmul.u32 $0x140, v24;
	v37 =	vld [tilespmem:s15+$0x0]  }
0xae: {  	v38 =	vld [tilespmem:s17+$0x0]  }
0xaf: {  	v40 =	vadd.s32 v2, v36;
	v39 =	vld [tilespmem:s18+$0x0]  }
0xb0: {  	v41 =	vor.u32 v1, v36;
	v42 =	vld [tilespmem:s19+$0x0]  }
0xb1: {  	v44 =	vor.u32 v4, v36;
	v43 =	vld [tilespmem:s23+$0x0]  }
0xb2: {  	v46 =	vor.u32 v5, v36;
	v45 =	vld [tilespmem:s24+$0x0]  }
0xb3: {  	v47 =	vor.u32 v6, v36;
	v24 =	vld [tilespmem:s25+$0x0]  }
0xb4: {  	[tilespmem:v40+s20+$0x0] =	vst.idx.add.f32.msk $0xffff, v3;
	v40 =	vadd.s32 v7, v36  }
0xb5: {  	[tilespmem:v41+s20+$0x0] =	vst.idx.add.f32.msk $0xffff, v23;
	v23 =	vadd.s32 v8, v36  }
0xb6: {  	[tilespmem:v44+s20+$0x0] =	vst.idx.add.f32.msk $0xffff, v25;
	v25 =	vadd.s32 v9, v36  }
0xb7: {  	[tilespmem:v46+s20+$0x0] =	vst.idx.add.f32.msk $0xffff, v26;
	v26 =	vadd.s32 v10, v36  }
0xb8: {  	[tilespmem:v47+s20+$0x0] =	vst.idx.add.f32.msk $0xffff, v27;
	v27 =	vadd.s32 v11, v36  }
0xb9: {  	[tilespmem:v40+s20+$0x0] =	vst.idx.add.f32.msk $0xffff, v28;
	v28 =	vadd.s32 v12, v36  }
0xba: {  	[tilespmem:v23+s20+$0x0] =	vst.idx.add.f32.msk $0xffff, v29;
	v23 =	vadd.s32 v13, v36  }
0xbb: {  	[tilespmem:v25+s20+$0x0] =	vst.idx.add.f32.msk $0xffff, v30;
	v25 =	vadd.s32 v14, v36  }
0xbc: {  	[tilespmem:v26+s20+$0x0] =	vst.idx.add.f32.msk $0xffff, v31;
	v26 =	vadd.s32 v15, v36  }
0xbd: {  	[tilespmem:v27+s20+$0x0] =	vst.idx.add.f32.msk $0xffff, v32;
	v27 =	vadd.s32 v16, v36  }
0xbe: {  	[tilespmem:v28+s20+$0x0] =	vst.idx.add.f32.msk $0xffff, v33;
	v28 =	vadd.s32 v17, v36  }
0xbf: {  	v29 =	vadd.s32 v18, v36;
	[tilespmem:v23+s20+$0x0] =	vst.idx.add.f32.msk $0xffff, v34  }
0xc0: {  	[tilespmem:v25+s20+$0x0] =	vst.idx.add.f32.msk $0xffff, v35;
	v25 =	vadd.s32 v19, v36  }
0xc1: {  	[tilespmem:v26+s20+$0x0] =	vst.idx.add.f32.msk $0xffff, v37;
	v26 =	vadd.s32 v20, v36  }
.Ltmp1:
0xc2: {  	v23 =	vadd.s32 v21, v36;
	[tilespmem:v27+s20+$0x0] =	vst.idx.add.f32.msk $0xffff, v38;
	(pc) =	sbr.rel @p0 .LBB2_5-.Ltmp1, $4  }
0xc3: {  	[tilespmem:v28+s20+$0x0] =	vst.idx.add.f32.msk $0xffff, v39  }
0xc4: {  	[tilespmem:v29+s20+$0x0] =	vst.idx.add.f32.msk $0xffff, v42  }
0xc5: {  	[tilespmem:v25+s20+$0x0] =	vst.idx.add.f32.msk $0xffff, v43  }
0xc6: {  	s1 =	sadd.s32 $0x20, s1;
	[tilespmem:v26+s20+$0x0] =	vst.idx.add.f32.msk $0xffff, v45  }
0xc7: {  	s30 =	sshll.u32 s29, $0x1;
	p0 =	seq.s32 s29, $0xE  }
0xc8: {  	s0 =	sadd.s32 @!p0 $0x2, s30  }
0xc9: {  	s1 =	smulhi.u32 @!p0 $0x55555556, s0;
	_ =	sdelay $0x1  }
0xca: {  	s3 =	rddreg [dreg:$0x4];
	s2 =	smul.u32 @!p0 $0x3, s1  }
0xcb: {  	s1 =	sadd.s32 @!p0 s3, s1  }
0xcc: {  	s1 =	smul.u32 @!p0 $0xC00, s1;
	s0 =	ssub.s32 @!p0 s0, s2  }
0xcd: {  	s0 =	sshll.u32 @!p0 s0, $0xA  }
0xce: {  	s0 =	sadd.s32 @!p0 s0, s1;
	s1 =	rddreg [dreg:$0x5]  }
0xcf: {  	s1 =	sadd.s32 @!p0 s1, s0  }
0xd0: {  	s9 =	simm.s32 $0x2;
	s2 =	rddreg [dreg:$0x0];
	s1 =	sshrl.u32 @!p0 s1, $0x3  }
0xd1: {  	[tilespmem:v23+s20+$0x0] =	vst.idx.add.f32.msk $0xffff, v24;
	s0 =	sadd.s32 @!p0 s7, s0;
	s1 =	sadd.s32 @!p0 s2, s1;
	s2 =	simm.s32 @!p0 $0x0  }
0xd2: {  	[tilespmem:s2], [sflag:$0x1] =	stream.linear.gather @!p0 [hbm4b:s1+s2], $0x400, $0x38;
	[tilespmem:$0xB980] =	vst v63  }
0xd3: {  	s3 =	simm.s32 @!p0 $0x800;
	s0 =	sshrl.u32 @!p0 s0, $0x3;
	s1 =	rddreg [dreg:$0x1]  }
0xd4: {  	s2 =	simm.s32 @!p0 $0x24000;
	s0 =	sadd.s32 @!p0 s1, s0;
	s1 =	simm.s32 @!p0 $0x400  }
0xd5: {  	[tilespmem:s3], [sflag:$0x3] =	stream.strided.gather @!p0 [hbm4b:s0+s1], $0x4C00, s2, s1, $0x38;
	[tilespmem:$0xB980] =	vst v63  }
0xd6: {  	_ =	swait.ge [sflag:s9], $0x400  }
0xd7: {  	[sflag:s9] =	ssyncset.done $0x0  }
0xd8: {  	s10 =	simm.s32 $0x0;
	s5 =	simm.s32 $0x4;
	[sflag:s9] =	ssyncadd.s32 $0xFFFFFC00  }
0xd9: {  	s0 =	sand.u32 $0x60, s10;
	s2 =	sand.u32 $0x380, s10;
	_ =	swait.ge [sflag:s5], $0x4C00  }
0xda: {  	s3 =	sor.u32 $0x5400, s2;
	s4 =	sor.u32 $0x10, s0;
	[sflag:s5] =	ssyncset.done $0x0  }
0xdb: {  	s11 =	sor.u32 s4, s3;
	[sflag:s5] =	ssyncadd.s32 $0xFFFFB400  }
0xdc: {  	v0 =	vld [tilespmem:s11+$0x0];
	_ =	sdelay $0x3  }
0xdd: {  	s6 =	sor.u32 $0x5800, s2  }
0xde: {  	s12 =	sor.u32 s4, s6;
	[tilespmem:$0x1FFE0] =	vst v0  }
0xdf: {  	v0 =	vld [tilespmem:s12+$0x0];
	_ =	sdelay $0x3  }
0xe0: {  	s8 =	sor.u32 $0x5C00, s2  }
0xe1: {  	s13 =	sor.u32 s4, s8;
	s9 =	sor.u32 $0x6000, s2;
	[tilespmem:$0x1FFF0] =	vst v0  }
0xe2: {  	s10 =	sor.u32 $0x6400, s2;
	s14 =	sor.u32 s4, s9;
	v26 =	vld [tilespmem:s13+$0x0]  }
0xe3: {  	s15 =	sor.u32 s4, s10;
	s11 =	sor.u32 $0x6800, s2;
	v27 =	vld [tilespmem:s14+$0x0]  }
0xe4: {  	s16 =	sor.u32 s4, s11;
	s12 =	sor.u32 $0x6C00, s2;
	v28 =	vld [tilespmem:s15+$0x0]  }
0xe5: {  	s17 =	sor.u32 s4, s12;
	v29 =	vld [tilespmem:s16+$0x0]  }
0xe6: {  	s3 =	sor.u32 s0, s3;
	v30 =	vld [tilespmem:s17+$0x0]  }
0xe7: {  	s6 =	sor.u32 s0, s6;
	v44 =	vld [tilespmem:s3+$0x0]  }
0xe8: {  	s8 =	sor.u32 s0, s8;
	v45 =	vld [tilespmem:s6+$0x0]  }
0xe9: {  	s9 =	sor.u32 s0, s9;
	v46 =	vld [tilespmem:s8+$0x0]  }
0xea: {  	s10 =	sor.u32 s0, s10;
	v47 =	vld [tilespmem:s9+$0x0]  }
0xeb: {  	s11 =	sor.u32 s0, s11;
	v48 =	vld [tilespmem:s10+$0x0]  }
0xec: {  	s12 =	sor.u32 s0, s12;
	s13 =	sor.u32 $0x7000, s2;
	v49 =	vld [tilespmem:s11+$0x0]  }
0xed: {  	s14 =	sor.u32 $0x400, s2;
	v50 =	vld [tilespmem:s12+$0x0];
	s18 =	sor.u32 s4, s13  }
0xee: {  	s15 =	sor.u32 $0x7400, s2;
	s16 =	sor.u32 s4, s14;
	v31 =	vld [tilespmem:s18+$0x0]  }
0xef: {  	s17 =	sor.u32 $0x7800, s2;
	s19 =	sor.u32 s4, s15;
	v23 =	vld [tilespmem:s16+$0x0]  }
0xf0: {  	s21 =	sor.u32 s4, s17;
	v32 =	vld [tilespmem:s19+$0x0]  }
0xf1: {  	s13 =	sor.u32 s0, s13;
	s16 =	sor.u32 $0x7C00, s2;
	v33 =	vld [tilespmem:s21+$0x0]  }
0xf2: {  	s18 =	sor.u32 $0x8000, s2;
	v51 =	vld [tilespmem:s13+$0x0];
	s22 =	sor.u32 s4, s16  }
0xf3: {  	s19 =	sor.u32 $0x8400, s2;
	s23 =	sor.u32 s4, s18;
	v34 =	vld [tilespmem:s22+$0x0]  }
0xf4: {  	s21 =	sor.u32 $0x8800, s2;
	s24 =	sor.u32 s4, s19;
	v35 =	vld [tilespmem:s23+$0x0]  }
0xf5: {  	s25 =	sor.u32 s4, s21;
	v36 =	vld [tilespmem:s24+$0x0]  }
0xf6: {  	s18 =	sor.u32 s0, s18;
	v37 =	vld [tilespmem:s25+$0x0]  }
0xf7: {  	s19 =	sor.u32 s0, s19;
	s22 =	sor.u32 $0x8C00, s2;
	v56 =	vld [tilespmem:s18+$0x0];
	v55 =	vmul.u32 $0x140, v23  }
0xf8: {  	s23 =	sor.u32 $0x9000, s2;
	v57 =	vld [tilespmem:s19+$0x0];
	s26 =	sor.u32 s4, s22  }
0xf9: {  	s24 =	sor.u32 $0x9400, s2;
	s25 =	sor.u32 s4, s23;
	v38 =	vld [tilespmem:s26+$0x0];
	v58 =	vadd.s32 v2, v55  }
0xfa: {  	s1 =	sor.u32 $0x9800, s2;
	s5 =	sor.u32 s4, s24;
	v39 =	vld [tilespmem:s25+$0x0]  }
0xfb: {  	s2 =	sor.u32 $0x9C00, s2;
	v40 =	vld [tilespmem:s5+$0x0];
	s26 =	sor.u32 s4, s1  }
0xfc: {  	s4 =	sor.u32 s4, s2;
	v41 =	vld [tilespmem:s26+$0x0]  }
0xfd: {  	v42 =	vld [tilespmem:s4+$0x0]  }
0xfe: {  	[tilespmem:v58+s20+$0x0] =	vst.idx.add.f32.msk $0xffff, v3  }
0xff: {  	s21 =	sor.u32 s0, s21;
	v60 =	vor.u32 v1, v55;
	v25 =	vld [tilespmem:$0x1FFE0]  }
0x100: {  	v59 =	vld [tilespmem:s21+$0x0];
	s22 =	sor.u32 s0, s22  }
0x101: {  	s5 =	sor.u32 s0, s14;
	v61 =	vld [tilespmem:s22+$0x0]  }
0x102: {  	s14 =	sor.u32 s0, s15;
	v43 =	vld [tilespmem:s5+$0x0]  }
0x103: {  	v52 =	vld [tilespmem:s14+$0x0]  }
0x104: {  	[tilespmem:v60+s20+$0x0] =	vst.idx.add.f32.msk $0xffff, v25  }
0x105: {  	s15 =	sor.u32 s0, s17;
	v62 =	vor.u32 v4, v55;
	v25 =	vld [tilespmem:$0x1FFF0]  }
0x106: {  	s17 =	sor.u32 s0, s16;
	v53 =	vld [tilespmem:s15+$0x0];
	v0 =	vor.u32 v5, v55  }
0x107: {  	s25 =	sor.u32 s0, s23;
	v54 =	vld [tilespmem:s17+$0x0];
	v24 =	vor.u32 v6, v55  }
0x108: {  	v63 =	vld [tilespmem:s25+$0x0];
	s26 =	sor.u32 s0, s24;
	v58 =	vadd.s32 v7, v55  }
0x109: {  	v23 =	vld [tilespmem:s26+$0x0];
	v60 =	vadd.s32 v8, v55  }
0x10a: {  	[tilespmem:v62+s20+$0x0] =	vst.idx.add.f32.msk $0xffff, v25;
	v25 =	vadd.s32 v9, v55  }
0x10b: {  	[tilespmem:v0+s20+$0x0] =	vst.idx.add.f32.msk $0xffff, v26;
	v0 =	vadd.s32 v10, v55  }
0x10c: {  	[tilespmem:v24+s20+$0x0] =	vst.idx.add.f32.msk $0xffff, v27;
	v24 =	vadd.s32 v11, v55  }
0x10d: {  	v26 =	vadd.s32 v12, v55;
	[tilespmem:v58+s20+$0x0] =	vst.idx.add.f32.msk $0xffff, v28  }
0x10e: {  	v27 =	vadd.s32 v13, v55;
	[tilespmem:v60+s20+$0x0] =	vst.idx.add.f32.msk $0xffff, v29  }
0x10f: {  	[tilespmem:v25+s20+$0x0] =	vst.idx.add.f32.msk $0xffff, v30;
	v25 =	vadd.s32 v14, v55  }
0x110: {  	[tilespmem:v0+s20+$0x0] =	vst.idx.add.f32.msk $0xffff, v31;
	v0 =	vadd.s32 v15, v55  }
0x111: {  	[tilespmem:v24+s20+$0x0] =	vst.idx.add.f32.msk $0xffff, v32;
	v24 =	vadd.s32 v16, v55  }
0x112: {  	[tilespmem:v26+s20+$0x0] =	vst.idx.add.f32.msk $0xffff, v33;
	v26 =	vadd.s32 v17, v55  }
0x113: {  	[tilespmem:v27+s20+$0x0] =	vst.idx.add.f32.msk $0xffff, v34;
	v27 =	vadd.s32 v18, v55  }
0x114: {  	[tilespmem:v25+s20+$0x0] =	vst.idx.add.f32.msk $0xffff, v35;
	v25 =	vadd.s32 v19, v55  }
0x115: {  	[tilespmem:v0+s20+$0x0] =	vst.idx.add.f32.msk $0xffff, v36;
	v0 =	vadd.s32 v20, v55  }
0x116: {  	[tilespmem:v24+s20+$0x0] =	vst.idx.add.f32.msk $0xffff, v37  }
0x117: {  	v24 =	vadd.s32 v21, v55;
	[tilespmem:v26+s20+$0x0] =	vst.idx.add.f32.msk $0xffff, v38;
	v26 =	vmul.u32 $0x140, v43  }
0x118: {  	[tilespmem:v27+s20+$0x0] =	vst.idx.add.f32.msk $0xffff, v39  }
0x119: {  	[tilespmem:v25+s20+$0x0] =	vst.idx.add.f32.msk $0xffff, v40;
	v27 =	vadd.s32 v2, v26  }
0x11a: {  	s1 =	sor.u32 s0, s1;
	[tilespmem:v0+s20+$0x0] =	vst.idx.add.f32.msk $0xffff, v41;
	v0 =	vor.u32 v1, v26  }
0x11b: {  	v28 =	vor.u32 v4, v26;
	v25 =	vld [tilespmem:s1+$0x0]  }
0x11c: {  	s0 =	sor.u32 s0, s2;
	v29 =	vor.u32 v5, v26;
	[tilespmem:v24+s20+$0x0] =	vst.idx.add.f32.msk $0xffff, v42  }
0x11d: {  	v30 =	vor.u32 v6, v26;
	v24 =	vld [tilespmem:s0+$0x0]  }
0x11e: {  	v31 =	vadd.s32 v7, v26;
	[tilespmem:v27+s20+$0x0] =	vst.idx.add.f32.msk $0xffff, v3  }
0x11f: {  	v27 =	vadd.s32 v8, v26;
	[tilespmem:v0+s20+$0x0] =	vst.idx.add.f32.msk $0xffff, v44  }
0x120: {  	v0 =	vadd.s32 v9, v26;
	[tilespmem:v28+s20+$0x0] =	vst.idx.add.f32.msk $0xffff, v45  }
0x121: {  	v28 =	vadd.s32 v10, v26;
	[tilespmem:v29+s20+$0x0] =	vst.idx.add.f32.msk $0xffff, v46  }
0x122: {  	v29 =	vadd.s32 v11, v26;
	[tilespmem:v30+s20+$0x0] =	vst.idx.add.f32.msk $0xffff, v47  }
0x123: {  	v30 =	vadd.s32 v12, v26;
	[tilespmem:v31+s20+$0x0] =	vst.idx.add.f32.msk $0xffff, v48  }
0x124: {  	v31 =	vadd.s32 v13, v26;
	[tilespmem:v27+s20+$0x0] =	vst.idx.add.f32.msk $0xffff, v49  }
0x125: {  	v27 =	vadd.s32 v14, v26;
	[tilespmem:v0+s20+$0x0] =	vst.idx.add.f32.msk $0xffff, v50  }
0x126: {  	v0 =	vadd.s32 v15, v26;
	[tilespmem:v28+s20+$0x0] =	vst.idx.add.f32.msk $0xffff, v51  }
0x127: {  	v28 =	vadd.s32 v16, v26;
	[tilespmem:v29+s20+$0x0] =	vst.idx.add.f32.msk $0xffff, v52  }
0x128: {  	[tilespmem:v30+s20+$0x0] =	vst.idx.add.f32.msk $0xffff, v53  }
0x129: {  	v29 =	vadd.s32 v17, v26;
	[tilespmem:v31+s20+$0x0] =	vst.idx.add.f32.msk $0xffff, v54  }
0x12a: {  	v30 =	vadd.s32 v18, v26;
	[tilespmem:v27+s20+$0x0] =	vst.idx.add.f32.msk $0xffff, v56  }
0x12b: {  	v27 =	vadd.s32 v19, v26;
	[tilespmem:v0+s20+$0x0] =	vst.idx.add.f32.msk $0xffff, v57  }
0x12c: {  	[tilespmem:v28+s20+$0x0] =	vst.idx.add.f32.msk $0xffff, v59;
	v28 =	vadd.s32 v20, v26  }
0x12d: {  	v26 =	vadd.s32 v21, v26  }
0x12e: {  	[tilespmem:v29+s20+$0x0] =	vst.idx.add.f32.msk $0xffff, v61  }
0x12f: {  	s31 =	simm.s32 $0x0;
	s1 =	simm.s32 $0x20;
	[tilespmem:v30+s20+$0x0] =	vst.idx.add.f32.msk $0xffff, v63  }
.LBB2_7:
0x130: {  	s19 =	sand.u32 $0x60, s1;
	s22 =	sand.u32 $0x380, s1;
	[tilespmem:v27+s20+$0x0] =	vst.idx.add.f32.msk $0xffff, v23  }
0x131: {  	s2 =	sor.u32 $0x5400, s22;
	s21 =	sor.u32 $0x10, s19;
	[tilespmem:v28+s20+$0x0] =	vst.idx.add.f32.msk $0xffff, v25  }
0x132: {  	s3 =	sor.u32 $0x5800, s22;
	s0 =	sor.u32 s19, s2;
	s2 =	sor.u32 s21, s2;
	[tilespmem:v26+s20+$0x0] =	vst.idx.add.f32.msk $0xffff, v24  }
0x133: {  	s4 =	sor.u32 $0x5C00, s22;
	s16 =	sor.u32 s19, s3;
	v0 =	vld [tilespmem:s2+$0x0];
	s2 =	sor.u32 s21, s3  }
0x134: {  	s23 =	sor.u32 s19, s4;
	s3 =	sor.u32 $0x6000, s22;
	v23 =	vld [tilespmem:s2+$0x0];
	s2 =	sor.u32 s21, s4  }
0x135: {  	s24 =	sor.u32 s19, s3;
	s4 =	sor.u32 $0x6400, s22;
	v24 =	vld [tilespmem:s2+$0x0];
	s2 =	sor.u32 s21, s3  }
0x136: {  	s10 =	sor.u32 s19, s4;
	s3 =	sor.u32 $0x6800, s22;
	v25 =	vld [tilespmem:s2+$0x0];
	s2 =	sor.u32 s21, s4  }
0x137: {  	s11 =	sor.u32 s19, s3;
	s4 =	sor.u32 $0x6C00, s22;
	v26 =	vld [tilespmem:s2+$0x0];
	s2 =	sor.u32 s21, s3  }
0x138: {  	s12 =	sor.u32 s19, s4;
	s3 =	sor.u32 $0x7000, s22;
	v27 =	vld [tilespmem:s2+$0x0];
	s2 =	sor.u32 s21, s4  }
0x139: {  	s4 =	sor.u32 $0x400, s22;
	s13 =	sor.u32 s19, s3;
	v28 =	vld [tilespmem:s2+$0x0];
	s2 =	sor.u32 s21, s3  }
0x13a: {  	s18 =	sor.u32 s19, s4;
	s3 =	sor.u32 $0x7400, s22;
	s4 =	sor.u32 s21, s4;
	v29 =	vld [tilespmem:s2+$0x0]  }
0x13b: {  	s8 =	sor.u32 s19, s3;
	s2 =	sor.u32 $0x7800, s22;
	s3 =	sor.u32 s21, s3;
	v30 =	vld [tilespmem:s4+$0x0]  }
0x13c: {  	s9 =	sor.u32 s19, s2;
	s4 =	sor.u32 $0x7C00, s22;
	s2 =	sor.u32 s21, s2;
	v31 =	vld [tilespmem:s3+$0x0]  }
0x13d: {  	s25 =	sor.u32 s19, s4;
	s3 =	sor.u32 $0x8000, s22;
	v32 =	vld [tilespmem:s2+$0x0];
	s2 =	sor.u32 s21, s4  }
0x13e: {  	s26 =	sor.u32 s19, s3;
	s4 =	sor.u32 $0x8400, s22;
	v33 =	vld [tilespmem:s2+$0x0];
	s2 =	sor.u32 s21, s3  }
0x13f: {  	s6 =	sor.u32 s19, s4;
	s3 =	sor.u32 $0x8800, s22;
	v34 =	vld [tilespmem:s2+$0x0];
	s2 =	sor.u32 s21, s4  }
0x140: {  	s17 =	sor.u32 s19, s3;
	s4 =	sor.u32 $0x8C00, s22;
	v30 =	vmul.u32 $0x140, v30;
	v35 =	vld [tilespmem:s2+$0x0];
	s2 =	sor.u32 s21, s3  }
0x141: {  	s15 =	sor.u32 s19, s4;
	s3 =	sor.u32 $0x9000, s22;
	s4 =	sor.u32 s21, s4;
	v36 =	vld [tilespmem:s2+$0x0]  }
0x142: {  	s14 =	sor.u32 $0x9400, s22;
	s2 =	sor.u32 s19, s3;
	v37 =	vld [tilespmem:s4+$0x0];
	s4 =	sor.u32 s21, s3;
	v38 =	vadd.s32 v2, v30  }
0x143: {  	s5 =	sor.u32 $0x9800, s22;
	s3 =	sor.u32 s19, s14;
	v39 =	vor.u32 v1, v30;
	v40 =	vld [tilespmem:s4+$0x0];
	s4 =	sor.u32 s21, s14  }
0x144: {  	s22 =	sor.u32 $0x9C00, s22;
	v42 =	vor.u32 v4, v30;
	s14 =	sor.u32 s19, s5;
	v41 =	vld [tilespmem:s4+$0x0];
	s4 =	sor.u32 s21, s5  }
0x145: {  	v44 =	vor.u32 v5, v30;
	s19 =	sor.u32 s19, s22;
	v43 =	vld [tilespmem:s4+$0x0];
	s4 =	sor.u32 s21, s22  }
0x146: {  	v46 =	vor.u32 v6, v30;
	v45 =	vld [tilespmem:s4+$0x0]  }
0x147: {  	[tilespmem:v38+s20+$0x0] =	vst.idx.add.f32.msk $0xffff, v3;
	v38 =	vadd.s32 v7, v30  }
0x148: {  	[tilespmem:v39+s20+$0x0] =	vst.idx.add.f32.msk $0xffff, v0;
	v0 =	vadd.s32 v8, v30  }
0x149: {  	[tilespmem:v42+s20+$0x0] =	vst.idx.add.f32.msk $0xffff, v23;
	v23 =	vadd.s32 v9, v30  }
0x14a: {  	[tilespmem:v44+s20+$0x0] =	vst.idx.add.f32.msk $0xffff, v24;
	v24 =	vadd.s32 v10, v30  }
0x14b: {  	s31 =	sadd.s32 $0x2, s31;
	[tilespmem:v46+s20+$0x0] =	vst.idx.add.f32.msk $0xffff, v25;
	v25 =	vadd.s32 v11, v30  }
0x14c: {  	p1 =	slt.u32 s31, $0x3E;
	[tilespmem:v38+s20+$0x0] =	vst.idx.add.f32.msk $0xffff, v26;
	v26 =	vadd.s32 v12, v30  }
0x14d: {  	[tilespmem:v0+s20+$0x0] =	vst.idx.add.f32.msk $0xffff, v27;
	v0 =	vadd.s32 v13, v30  }
0x14e: {  	[tilespmem:v23+s20+$0x0] =	vst.idx.add.f32.msk $0xffff, v28;
	v23 =	vadd.s32 v14, v30  }
0x14f: {  	[tilespmem:v24+s20+$0x0] =	vst.idx.add.f32.msk $0xffff, v29;
	v24 =	vadd.s32 v15, v30  }
0x150: {  	[tilespmem:v25+s20+$0x0] =	vst.idx.add.f32.msk $0xffff, v31;
	v25 =	vadd.s32 v16, v30  }
0x151: {  	[tilespmem:v26+s20+$0x0] =	vst.idx.add.f32.msk $0xffff, v32;
	v26 =	vadd.s32 v17, v30  }
0x152: {  	[tilespmem:v0+s20+$0x0] =	vst.idx.add.f32.msk $0xffff, v33;
	v0 =	vadd.s32 v18, v30  }
0x153: {  	[tilespmem:v23+s20+$0x0] =	vst.idx.add.f32.msk $0xffff, v34;
	v23 =	vadd.s32 v19, v30  }
0x154: {  	[tilespmem:v24+s20+$0x0] =	vst.idx.add.f32.msk $0xffff, v35;
	v24 =	vadd.s32 v20, v30  }
0x155: {  	[tilespmem:v25+s20+$0x0] =	vst.idx.add.f32.msk $0xffff, v36;
	v25 =	vadd.s32 v21, v30  }
0x156: {  	[tilespmem:v26+s20+$0x0] =	vst.idx.add.f32.msk $0xffff, v37  }
0x157: {  	[tilespmem:v0+s20+$0x0] =	vst.idx.add.f32.msk $0xffff, v40  }
0x158: {  	[tilespmem:v23+s20+$0x0] =	vst.idx.add.f32.msk $0xffff, v41  }
0x159: {  	[tilespmem:v24+s20+$0x0] =	vst.idx.add.f32.msk $0xffff, v43  }
0x15a: {  	[tilespmem:v25+s20+$0x0] =	vst.idx.add.f32.msk $0xffff, v45  }
0x15b: {  	v0 =	vld [tilespmem:s18+$0x0]  }
0x15c: {  	v29 =	vld [tilespmem:s0+$0x0]  }
0x15d: {  	v30 =	vld [tilespmem:s16+$0x0]  }
0x15e: {  	v31 =	vld [tilespmem:s23+$0x0]  }
0x15f: {  	v32 =	vld [tilespmem:s24+$0x0]  }
0x160: {  	v0 =	vmul.u32 $0x140, v0;
	v33 =	vld [tilespmem:s10+$0x0]  }
0x161: {  	v34 =	vld [tilespmem:s11+$0x0]  }
0x162: {  	v35 =	vor.u32 v1, v0;
	v36 =	vld [tilespmem:s12+$0x0];
	v37 =	vadd.s32 v2, v0;
	v38 =	vor.u32 v4, v0  }
0x163: {  	v40 =	vor.u32 v5, v0;
	v41 =	vor.u32 v6, v0;
	v42 =	vadd.s32 v7, v0;
	v39 =	vld [tilespmem:s13+$0x0]  }
0x164: {  	v44 =	vadd.s32 v8, v0;
	v45 =	vadd.s32 v9, v0;
	v46 =	vadd.s32 v10, v0;
	v43 =	vld [tilespmem:s8+$0x0]  }
0x165: {  	v48 =	vadd.s32 v11, v0;
	v49 =	vadd.s32 v12, v0;
	v50 =	vadd.s32 v13, v0;
	v47 =	vld [tilespmem:s9+$0x0]  }
0x166: {  	v52 =	vadd.s32 v14, v0;
	v53 =	vadd.s32 v15, v0;
	v54 =	vadd.s32 v16, v0;
	v51 =	vld [tilespmem:s25+$0x0]  }
0x167: {  	v56 =	vadd.s32 v17, v0;
	v57 =	vadd.s32 v18, v0;
	v27 =	vadd.s32 v19, v0;
	v55 =	vld [tilespmem:s26+$0x0]  }
0x168: {  	v28 =	vadd.s32 v20, v0;
	v26 =	vadd.s32 v21, v0;
	v58 =	vld [tilespmem:s6+$0x0]  }
0x169: {  	v0 =	vld [tilespmem:s17+$0x0]  }
0x16a: {  	v59 =	vld [tilespmem:s15+$0x0]  }
0x16b: {  	v60 =	vld [tilespmem:s2+$0x0]  }
0x16c: {  	v23 =	vld [tilespmem:s3+$0x0]  }
0x16d: {  	v25 =	vld [tilespmem:s14+$0x0]  }
0x16e: {  	v24 =	vld [tilespmem:s19+$0x0]  }
0x16f: {  	[tilespmem:v37+s20+$0x0] =	vst.idx.add.f32.msk $0xffff, v3  }
0x170: {  	[tilespmem:v35+s20+$0x0] =	vst.idx.add.f32.msk $0xffff, v29  }
0x171: {  	[tilespmem:v38+s20+$0x0] =	vst.idx.add.f32.msk $0xffff, v30  }
0x172: {  	[tilespmem:v40+s20+$0x0] =	vst.idx.add.f32.msk $0xffff, v31  }
0x173: {  	[tilespmem:v41+s20+$0x0] =	vst.idx.add.f32.msk $0xffff, v32  }
0x174: {  	[tilespmem:v42+s20+$0x0] =	vst.idx.add.f32.msk $0xffff, v33  }
0x175: {  	[tilespmem:v44+s20+$0x0] =	vst.idx.add.f32.msk $0xffff, v34  }
0x176: {  	[tilespmem:v45+s20+$0x0] =	vst.idx.add.f32.msk $0xffff, v36  }
0x177: {  	[tilespmem:v46+s20+$0x0] =	vst.idx.add.f32.msk $0xffff, v39  }
0x178: {  	[tilespmem:v48+s20+$0x0] =	vst.idx.add.f32.msk $0xffff, v43  }
0x179: {  	[tilespmem:v49+s20+$0x0] =	vst.idx.add.f32.msk $0xffff, v47  }
0x17a: {  	[tilespmem:v50+s20+$0x0] =	vst.idx.add.f32.msk $0xffff, v51  }
.Ltmp2:
0x17b: {  	[tilespmem:v52+s20+$0x0] =	vst.idx.add.f32.msk $0xffff, v55;
	(pc) =	sbr.rel @p1 .LBB2_7-.Ltmp2, $4  }
0x17c: {  	[tilespmem:v53+s20+$0x0] =	vst.idx.add.f32.msk $0xffff, v58  }
0x17d: {  	[tilespmem:v54+s20+$0x0] =	vst.idx.add.f32.msk $0xffff, v0  }
0x17e: {  	[tilespmem:v56+s20+$0x0] =	vst.idx.add.f32.msk $0xffff, v59  }
0x17f: {  	s1 =	sadd.s32 $0x20, s1;
	[tilespmem:v57+s20+$0x0] =	vst.idx.add.f32.msk $0xffff, v60  }
0x180: {  	_ =	sdelay $0x1  }
.Ltmp3:
0x181: {  	_ = 	snop;
	(pc) =	sbr.rel @p0 .LBB2_9-.Ltmp3, $4  }
0x182: {  	_ = 	snop  }
0x183: {  	[tilespmem:v27+s20+$0x0] =	vst.idx.add.f32.msk $0xffff, v23  }
0x184: {  	[tilespmem:v28+s20+$0x0] =	vst.idx.add.f32.msk $0xffff, v25  }
0x185: {  	[tilespmem:v26+s20+$0x0] =	vst.idx.add.f32.msk $0xffff, v24  }
0x186: {  	s0 =	sadd.s32 $0x3, s30  }
0x187: {  	s1 =	smulhi.u32 $0x55555556, s0;
	_ =	sdelay $0x1  }
0x188: {  	s3 =	rddreg [dreg:$0x4];
	s2 =	smul.u32 $0x3, s1  }
0x189: {  	s1 =	sadd.s32 s3, s1  }
0x18a: {  	s1 =	smul.u32 $0xC00, s1;
	s0 =	ssub.s32 s0, s2  }
0x18b: {  	s22 =	rddreg [dreg:$0x5];
	s0 =	sshll.u32 s0, $0xA  }
0x18c: {  	s23 =	rddreg [dreg:$0x0];
	s24 =	simm.s32 $0x0;
	s0 =	sadd.s32 s0, s1  }
0x18d: {  	s25 =	simm.s32 $0x400;
	s26 =	rddreg [dreg:$0x1];
	s1 =	sadd.s32 s22, s0  }
.Ltmp4:
0x18e: {  	s0 =	sadd.s32 s7, s0;
	s1 =	sshrl.u32 s1, $0x3;
	(pc) =	sbr.rel .LBB2_4-.Ltmp4, $4  }
0x18f: {  	s30 =	simm.s32 $0x24000;
	s0 =	sshrl.u32 s0, $0x3;
	s1 =	sadd.s32 s23, s1  }
0x190: {  	[tilespmem:s25], [sflag:$0x2] =	stream.linear.gather [hbm4b:s1+s24], $0x400, $0x38;
	[tilespmem:$0xB980] =	vst v63  }
0x191: {  	s31 =	simm.s32 $0x5400;
	s29 =	sadd.s32 $0x1, s29;
	s0 =	sadd.s32 s26, s0  }
0x192: {  	[tilespmem:s31], [sflag:$0x4] =	stream.strided.gather [hbm4b:s0+s25], $0x4C00, s30, s25, $0x38;
	[tilespmem:$0xB980] =	vst v63  }
.LBB2_9:
0x193: {  	s2 =	simm.s32 $0x0  }
0x194: {  	v0 =	vor.u32 s2, v22  }
0x195: {  	s25 =	simm.s32 $0x1  }
0x196: {  	v23 =	vor.u32 s25, v22  }
0x197: {  	s26 =	simm.s32 $0x2  }
0x198: {  	v24 =	vor.u32 s26, v22  }
0x199: {  	s29 =	simm.s32 $0x3;
	v0 =	vld.idx.msk [tilespmem:v0+s20+$0x0], $0xffff  }
0x19a: {  	v25 =	vor.u32 s29, v22  }
0x19b: {  	s30 =	simm.s32 $0x4;
	v23 =	vld.idx.msk [tilespmem:v23+s20+$0x0], $0xffff  }
0x19c: {  	v26 =	vor.u32 s30, v22  }
0x19d: {  	s31 =	simm.s32 $0x5;
	v24 =	vld.idx.msk [tilespmem:v24+s20+$0x0], $0xffff  }
0x19e: {  	v27 =	vor.u32 s31, v22;
	v0 =	vadd.f32 $0.0e+00, v0  }
0x19f: {  	s3 =	simm.s32 $0x6;
	v25 =	vld.idx.msk [tilespmem:v25+s20+$0x0], $0xffff  }
0x1a0: {  	v28 =	vor.u32 s3, v22;
	v0 =	vadd.f32 v23, v0  }
0x1a1: {  	s4 =	simm.s32 $0x7;
	v23 =	vld.idx.msk [tilespmem:v26+s20+$0x0], $0xffff  }
0x1a2: {  	v26 =	vor.u32 s4, v22;
	v0 =	vadd.f32 v24, v0  }
0x1a3: {  	s5 =	simm.s32 $0x8;
	v24 =	vld.idx.msk [tilespmem:v27+s20+$0x0], $0xffff  }
0x1a4: {  	v27 =	vor.u32 s5, v22;
	v0 =	vadd.f32 v25, v0  }
0x1a5: {  	s6 =	simm.s32 $0x9;
	v25 =	vld.idx.msk [tilespmem:v28+s20+$0x0], $0xffff  }
0x1a6: {  	v57 =	vor.u32 s6, v22;
	v0 =	vadd.f32 v23, v0  }
0x1a7: {  	s8 =	simm.s32 $0xA;
	v23 =	vld.idx.msk [tilespmem:v26+s20+$0x0], $0xffff  }
0x1a8: {  	v26 =	vor.u32 s8, v22;
	v0 =	vadd.f32 v24, v0  }
0x1a9: {  	s9 =	simm.s32 $0xB;
	v24 =	vld.idx.msk [tilespmem:v27+s20+$0x0], $0xffff  }
0x1aa: {  	v27 =	vor.u32 s9, v22;
	v0 =	vadd.f32 v25, v0  }
0x1ab: {  	s10 =	simm.s32 $0xC;
	v25 =	vld.idx.msk [tilespmem:v57+s20+$0x0], $0xffff  }
0x1ac: {  	v58 =	vor.u32 s10, v22;
	v0 =	vadd.f32 v23, v0  }
0x1ad: {  	s11 =	simm.s32 $0xD;
	v23 =	vld.idx.msk [tilespmem:v26+s20+$0x0], $0xffff  }
0x1ae: {  	v26 =	vor.u32 s11, v22;
	v0 =	vadd.f32 v24, v0  }
0x1af: {  	s12 =	simm.s32 $0xE;
	v24 =	vld.idx.msk [tilespmem:v27+s20+$0x0], $0xffff  }
0x1b0: {  	v27 =	vor.u32 s12, v22;
	v0 =	vadd.f32 v25, v0  }
0x1b1: {  	s1 =	simm.s32 $0xF;
	v25 =	vld.idx.msk [tilespmem:v58+s20+$0x0], $0xffff  }
0x1b2: {  	v59 =	vor.u32 s1, v22;
	v0 =	vadd.f32 v23, v0  }
0x1b3: {  	v23 =	vld.idx.msk [tilespmem:v26+s20+$0x0], $0xffff  }
0x1b4: {  	v0 =	vadd.f32 v24, v0  }
0x1b5: {  	v24 =	vld.idx.msk [tilespmem:v27+s20+$0x0], $0xffff  }
0x1b6: {  	v0 =	vadd.f32 v25, v0  }
0x1b7: {  	v25 =	vld.idx.msk [tilespmem:v59+s20+$0x0], $0xffff  }
0x1b8: {  	v0 =	vadd.f32 v23, v0  }
0x1b9: {  	s13 =	simm.s32 $0x100  }
0x1ba: {  	v23 =	vor.u32 s13, v22;
	v0 =	vadd.f32 v24, v0  }
0x1bb: {  	s14 =	simm.s32 $0x101  }
0x1bc: {  	v24 =	vor.u32 s14, v22;
	v0 =	vadd.f32 v25, v0  }
0x1bd: {  	s0 =	simm.s32 $0xB800;
	s15 =	simm.s32 $0x102  }
0x1be: {  	v25 =	vor.u32 s15, v22;
	[tilespmem:s0+$0x0] =	vst v0  }
0x1bf: {  	s16 =	simm.s32 $0x103;
	v0 =	vld.idx.msk [tilespmem:v23+s20+$0x0], $0xffff  }
0x1c0: {  	v23 =	vor.u32 s16, v22  }
0x1c1: {  	s17 =	simm.s32 $0x104;
	v24 =	vld.idx.msk [tilespmem:v24+s20+$0x0], $0xffff  }
0x1c2: {  	v26 =	vor.u32 s17, v22  }
0x1c3: {  	s18 =	simm.s32 $0x105;
	v25 =	vld.idx.msk [tilespmem:v25+s20+$0x0], $0xffff  }
0x1c4: {  	v27 =	vor.u32 s18, v22;
	v0 =	vadd.f32 $0.0e+00, v0  }
0x1c5: {  	s19 =	simm.s32 $0x106;
	v23 =	vld.idx.msk [tilespmem:v23+s20+$0x0], $0xffff  }
0x1c6: {  	v60 =	vor.u32 s19, v22;
	v0 =	vadd.f32 v24, v0  }
0x1c7: {  	s21 =	simm.s32 $0x107;
	v24 =	vld.idx.msk [tilespmem:v26+s20+$0x0], $0xffff  }
0x1c8: {  	v26 =	vor.u32 s21, v22;
	v0 =	vadd.f32 v25, v0  }
0x1c9: {  	s22 =	simm.s32 $0x108;
	v25 =	vld.idx.msk [tilespmem:v27+s20+$0x0], $0xffff  }
0x1ca: {  	v27 =	vor.u32 s22, v22;
	v0 =	vadd.f32 v23, v0  }
0x1cb: {  	s23 =	simm.s32 $0x109;
	v23 =	vld.idx.msk [tilespmem:v60+s20+$0x0], $0xffff  }
0x1cc: {  	v61 =	vor.u32 s23, v22;
	v0 =	vadd.f32 v24, v0  }
0x1cd: {  	s24 =	simm.s32 $0x10A;
	v24 =	vld.idx.msk [tilespmem:v26+s20+$0x0], $0xffff  }
0x1ce: {  	v26 =	vor.u32 s24, v22;
	v0 =	vadd.f32 v25, v0  }
0x1cf: {  	s25 =	simm.s32 $0x10B;
	v25 =	vld.idx.msk [tilespmem:v27+s20+$0x0], $0xffff  }
0x1d0: {  	v27 =	vor.u32 s25, v22;
	v0 =	vadd.f32 v23, v0  }
0x1d1: {  	s26 =	simm.s32 $0x10C;
	v23 =	vld.idx.msk [tilespmem:v61+s20+$0x0], $0xffff  }
0x1d2: {  	v62 =	vor.u32 s26, v22;
	v0 =	vadd.f32 v24, v0  }
0x1d3: {  	s29 =	simm.s32 $0x10D;
	v24 =	vld.idx.msk [tilespmem:v26+s20+$0x0], $0xffff  }
0x1d4: {  	v26 =	vor.u32 s29, v22;
	v0 =	vadd.f32 v25, v0  }
0x1d5: {  	s30 =	simm.s32 $0x10E;
	v25 =	vld.idx.msk [tilespmem:v27+s20+$0x0], $0xffff  }
0x1d6: {  	v27 =	vor.u32 s30, v22;
	v0 =	vadd.f32 v23, v0  }
0x1d7: {  	s31 =	simm.s32 $0x10F;
	v23 =	vld.idx.msk [tilespmem:v62+s20+$0x0], $0xffff  }
0x1d8: {  	v63 =	vor.u32 s31, v22;
	v0 =	vadd.f32 v24, v0  }
0x1d9: {  	v26 =	vld.idx.msk [tilespmem:v26+s20+$0x0], $0xffff  }
0x1da: {  	v0 =	vadd.f32 v25, v0  }
0x1db: {  	v24 =	vld.idx.msk [tilespmem:v27+s20+$0x0], $0xffff  }
0x1dc: {  	v0 =	vadd.f32 v23, v0  }
0x1dd: {  	v23 =	vld.idx.msk [tilespmem:v63+s20+$0x0], $0xffff  }
0x1de: {  	v25 =	vadd.f32 v26, v0  }
0x1df: {  	s1 =	simm.s32 $0x20F;
	s3 =	simm.s32 $0x200;
	s2 =	simm.s32 $0x30F  }
.LBB2_10:
0x1e0: {  	p0 =	sne.s32 s2, $0x170F;
	v0 =	vor.u32 s3, v22;
	v24 =	vadd.f32 v24, v25  }
0x1e1: {  	s3 =	sadd.s32 $0xFFFFFFF2, s1  }
0x1e2: {  	v25 =	vor.u32 s3, v22;
	v23 =	vadd.f32 v23, v24  }
0x1e3: {  	s0 =	sadd.s32 $0x10, s0;
	s3 =	sadd.s32 $0xFFFFFFF3, s1  }
0x1e4: {  	v24 =	vor.u32 s3, v22;
	[tilespmem:s0+$0x0] =	vst v23  }
0x1e5: {  	s3 =	sadd.s32 $0xFFFFFFF4, s1;
	v0 =	vld.idx.msk [tilespmem:v0+s20+$0x0], $0xffff  }
0x1e6: {  	v23 =	vor.u32 s3, v22  }
0x1e7: {  	s3 =	sadd.s32 $0xFFFFFFF5, s1;
	v25 =	vld.idx.msk [tilespmem:v25+s20+$0x0], $0xffff  }
0x1e8: {  	v26 =	vor.u32 s3, v22  }
0x1e9: {  	s3 =	sadd.s32 $0xFFFFFFF6, s1;
	v24 =	vld.idx.msk [tilespmem:v24+s20+$0x0], $0xffff  }
0x1ea: {  	v27 =	vor.u32 s3, v22  }
0x1eb: {  	s3 =	sadd.s32 $0xFFFFFFF7, s1;
	v0 =	vadd.f32 $0.0e+00, v0;
	v23 =	vld.idx.msk [tilespmem:v23+s20+$0x0], $0xffff  }
0x1ec: {  	v28 =	vor.u32 s3, v22  }
0x1ed: {  	s3 =	sadd.s32 $0xFFFFFFF8, s1;
	v0 =	vadd.f32 v25, v0;
	v25 =	vld.idx.msk [tilespmem:v26+s20+$0x0], $0xffff  }
0x1ee: {  	v26 =	vor.u32 s3, v22  }
0x1ef: {  	s3 =	sadd.s32 $0xFFFFFFF9, s1;
	v0 =	vadd.f32 v24, v0;
	v24 =	vld.idx.msk [tilespmem:v27+s20+$0x0], $0xffff  }
0x1f0: {  	v27 =	vor.u32 s3, v22  }
0x1f1: {  	s3 =	sadd.s32 $0xFFFFFFFA, s1;
	v0 =	vadd.f32 v23, v0;
	v23 =	vld.idx.msk [tilespmem:v28+s20+$0x0], $0xffff  }
0x1f2: {  	v28 =	vor.u32 s3, v22  }
0x1f3: {  	s3 =	sadd.s32 $0xFFFFFFFB, s1;
	v0 =	vadd.f32 v25, v0;
	v25 =	vld.idx.msk [tilespmem:v26+s20+$0x0], $0xffff  }
0x1f4: {  	v26 =	vor.u32 s3, v22  }
0x1f5: {  	s3 =	sadd.s32 $0xFFFFFFFC, s1;
	v0 =	vadd.f32 v24, v0;
	v24 =	vld.idx.msk [tilespmem:v27+s20+$0x0], $0xffff  }
0x1f6: {  	v27 =	vor.u32 s3, v22  }
0x1f7: {  	s3 =	sadd.s32 $0xFFFFFFFD, s1;
	v0 =	vadd.f32 v23, v0;
	v23 =	vld.idx.msk [tilespmem:v28+s20+$0x0], $0xffff  }
0x1f8: {  	v28 =	vor.u32 s3, v22  }
0x1f9: {  	s3 =	sadd.s32 $0xFFFFFFFE, s1;
	v0 =	vadd.f32 v25, v0;
	v25 =	vld.idx.msk [tilespmem:v26+s20+$0x0], $0xffff  }
0x1fa: {  	v26 =	vor.u32 s3, v22  }
0x1fb: {  	s3 =	sadd.s32 $0xFFFFFFFF, s1;
	v0 =	vadd.f32 v24, v0;
	v24 =	vld.idx.msk [tilespmem:v27+s20+$0x0], $0xffff  }
0x1fc: {  	v27 =	vor.u32 s3, v22  }
0x1fd: {  	v0 =	vadd.f32 v23, v0;
	v23 =	vld.idx.msk [tilespmem:v28+s20+$0x0], $0xffff  }
0x1fe: {  	v28 =	vor.u32 s1, v22;
	s1 =	smov.u32 s2  }
0x1ff: {  	v0 =	vadd.f32 v25, v0;
	v25 =	vld.idx.msk [tilespmem:v26+s20+$0x0], $0xffff;
	_ =	sdelay $0x1  }
0x200: {  	v0 =	vadd.f32 v24, v0;
	v24 =	vld.idx.msk [tilespmem:v27+s20+$0x0], $0xffff  }
.Ltmp5:
0x201: {  	(pc) =	sbr.rel @p0 .LBB2_10-.Ltmp5, $3  }
0x202: {  	v0 =	vadd.f32 v23, v0;
	v23 =	vld.idx.msk [tilespmem:v28+s20+$0x0], $0xffff;
	_ =	sdelay $0x1  }
0x203: {  	v25 =	vadd.f32 v25, v0  }
0x204: {  	s2 =	sadd.s32 $0x100, s2;
	s3 =	sadd.s32 $0xFFFFFFF1, s1  }
0x205: {  	v0 =	vor.u32 s3, v22;
	v24 =	vadd.f32 v24, v25  }
0x206: {  	s2 =	sadd.s32 $0xFFFFFFF2, s1  }
0x207: {  	v45 =	vor.u32 s2, v22;
	v23 =	vadd.f32 v23, v24  }
0x208: {  	s9 =	sadd.s32 $0xFFFFFFF3, s1;
	s0 =	sadd.s32 $0x10, s0  }
0x209: {  	v46 =	vor.u32 s9, v22;
	[tilespmem:s0+$0x0] =	vst v23  }
0x20a: {  	s10 =	sadd.s32 $0xFFFFFFF4, s1;
	v0 =	vld.idx.msk [tilespmem:v0+s20+$0x0], $0xffff  }
0x20b: {  	v23 =	vor.u32 s10, v22  }
0x20c: {  	s11 =	sadd.s32 $0xFFFFFFF5, s1;
	v25 =	vld.idx.msk [tilespmem:v45+s20+$0x0], $0xffff  }
0x20d: {  	v26 =	vor.u32 s11, v22  }
0x20e: {  	s12 =	sadd.s32 $0xFFFFFFF6, s1;
	v24 =	vld.idx.msk [tilespmem:v46+s20+$0x0], $0xffff  }
0x20f: {  	v27 =	vor.u32 s12, v22;
	v0 =	vadd.f32 $0.0e+00, v0  }
0x210: {  	s13 =	sadd.s32 $0xFFFFFFF7, s1;
	v23 =	vld.idx.msk [tilespmem:v23+s20+$0x0], $0xffff  }
0x211: {  	v28 =	vor.u32 s13, v22;
	v0 =	vadd.f32 v25, v0  }
0x212: {  	s14 =	sadd.s32 $0xFFFFFFF8, s1;
	v47 =	vld.idx.msk [tilespmem:v26+s20+$0x0], $0xffff  }
0x213: {  	v48 =	vor.u32 s14, v22;
	v0 =	vadd.f32 v24, v0  }
0x214: {  	s15 =	sadd.s32 $0xFFFFFFF9, s1;
	v49 =	vld.idx.msk [tilespmem:v27+s20+$0x0], $0xffff  }
0x215: {  	v50 =	vor.u32 s15, v22;
	v0 =	vadd.f32 v23, v0  }
0x216: {  	s16 =	sadd.s32 $0xFFFFFFFA, s1;
	v23 =	vld.idx.msk [tilespmem:v28+s20+$0x0], $0xffff  }
0x217: {  	v51 =	vor.u32 s16, v22;
	v0 =	vadd.f32 v47, v0  }
0x218: {  	s17 =	sadd.s32 $0xFFFFFFFB, s1;
	v52 =	vld.idx.msk [tilespmem:v48+s20+$0x0], $0xffff  }
0x219: {  	v53 =	vor.u32 s17, v22;
	v0 =	vadd.f32 v49, v0  }
0x21a: {  	s18 =	sadd.s32 $0xFFFFFFFC, s1;
	v54 =	vld.idx.msk [tilespmem:v50+s20+$0x0], $0xffff  }
0x21b: {  	v55 =	vor.u32 s18, v22;
	v0 =	vadd.f32 v23, v0  }
0x21c: {  	s19 =	sadd.s32 $0xFFFFFFFD, s1;
	v23 =	vld.idx.msk [tilespmem:v51+s20+$0x0], $0xffff  }
0x21d: {  	v56 =	vor.u32 s19, v22;
	v0 =	vadd.f32 v52, v0  }
0x21e: {  	s21 =	sadd.s32 $0xFFFFFFFE, s1;
	v57 =	vld.idx.msk [tilespmem:v53+s20+$0x0], $0xffff  }
0x21f: {  	v58 =	vor.u32 s21, v22;
	v0 =	vadd.f32 v54, v0  }
0x220: {  	s22 =	sadd.s32 $0xFFFFFFFF, s1;
	v59 =	vld.idx.msk [tilespmem:v55+s20+$0x0], $0xffff  }
0x221: {  	v60 =	vor.u32 s22, v22;
	v0 =	vadd.f32 v23, v0  }
0x222: {  	v23 =	vld.idx.msk [tilespmem:v56+s20+$0x0], $0xffff  }
0x223: {  	v61 =	vor.u32 s1, v22;
	v0 =	vadd.f32 v57, v0  }
0x224: {  	v62 =	vld.idx.msk [tilespmem:v58+s20+$0x0], $0xffff  }
0x225: {  	v0 =	vadd.f32 v59, v0  }
0x226: {  	v63 =	vld.idx.msk [tilespmem:v60+s20+$0x0], $0xffff  }
0x227: {  	v0 =	vadd.f32 v23, v0  }
0x228: {  	v23 =	vld.idx.msk [tilespmem:v61+s20+$0x0], $0xffff  }
0x229: {  	v0 =	vadd.f32 v62, v0;
	_ =	sdelay $0x1  }
0x22a: {  	v0 =	vadd.f32 v63, v0;
	_ =	sdelay $0x1  }
0x22b: {  	v0 =	vadd.f32 v23, v0  }
0x22c: {  	s23 =	rddreg [dreg:$0xa];
	s24 =	simm.s32 $0x400;
	s0 =	sadd.s32 $0x10, s0  }
0x22d: {  	s25 =	simm.s32 $0x80;
	s26 =	simm.s32 $0xB800;
	s29 =	simm.s32 $0x5;
	[tilespmem:s0+$0x0] =	vst v0  }
0x22e: {  	[hbm4b:s23+s25] =	stream.strided.scatter [tilespmem:s26], [sflag:$0x5], $0x180, s24, s25, $0x38;
	[tilespmem:$0xB980] =	vst v63  }
0x22f: {  	_ =	swait.ge [sflag:s29], $0x180  }
0x230: {  	s30 =	rddreg [dreg:$0xc]  }
0x231: {  	s31 =	rddreg [dreg:$0xb];
	s2 =	sadd.s32 $0x1, s30  }
0x232: {  	p0 =	sne.s32 s2, s31  }
.Ltmp6:
0x233: {  	_ = 	snop;
	(pc) =	sbr.rel @p0 .LBB2_1-.Ltmp6, $3  }
0x234: {  	_ =	sdelay $0x1  }
0x235: {  	[sflag:s29] =	ssyncset.done $0x0  }
0x236: {  	v0 =	vimm.f32 $0.0e+00;
	[sflag:s29] =	ssyncadd.s32 $0xFFFFFE80  }
0x237: {  	_ =	sfence.sel $0x180000  }
0x238: {  	[bflag:$0x0] =	sbarrier.arrive $0xFFFF  }
0x239: {  	_ =	strace $0x90000047  }
0x23a: {  	s0 =	stileid.u32;
	[bflag:$0x2] =	sbarrier.arrive $0xFFFF  }
0x23b: {  	p0 =	sne.s32 s0, $0x0;
	s0 =	rddreg [dreg:$0x3]  }
0x23c: {  	s0 =	sadd.s32 @!p0 $0x100000, s0  }
0x23d: {  	[sflag:s0] =	ssyncadd.tile.s32 @!p0 $0x1;
	_ =	shalt  }
.Lfunc_end2:
_tile_overlayer_lowered:
.L_overlay_start_2:
0x23e: {  	(tag) =	ssettag $0x2  }
0x23f: {  	s0 =	rddreg [dreg:$0x0];
	s2 =	stileid.u32  }
0x240: {  	s1 =	rddreg [dreg:$0x1];
	p0 =	sne.s32 s2, $0x0  }
0x241: {  	s3 =	rddreg [dreg:$0x2];
	[bflag:$0x3] =	sbarrier.arrive $0xFFFF;
	s2 =	simm.s32 @!p0 $0x1C05  }
0x242: {  	[timem:s3], [sflag:s2] =	dma.local @!p0 [hbm:s0], s1  }
0x243: {  	s0 =	simm.s32 @!p0 $0x5  }
0x244: {  	_ =	swait.ge @!p0 [sflag:s0], s1  }
0x245: {  	s1 =	ssub.s32 @!p0 $0x0, s1;
	[sflag:s0] =	ssyncset.done @!p0 $0x0  }
0x246: {  	[sflag:s0] =	ssyncadd.s32 @!p0 s1  }
0x247: {  	[bflag:$0x3] =	sbarrier.arrive $0xFFFF  }
0x248: {  	_ =	shalt  }

</sc_bundles>
